<compile_context>
chip_gen: v7x
topology: tpu7x:2x2x1
jax: 0.10.2.dev20260603
libtpu: 0.0.44.dev20260713+nightly
codegen_flags: <defaults>
</compile_context>

<pallas_src>
import functools

import jax
import jax.numpy as jnp
from jax import lax
from jax.experimental import pallas as pl
from jax.experimental.pallas import tpu as pltpu
from jax.experimental.pallas import tpu_sc as plsc

_G = 16


@functools.cache
def _build(B, V, D):
    info = plsc.get_sparse_core_info()
    nw = info.num_cores * info.num_subcores
    b_per_w = B // nw
    n_grp = b_per_w // _G
    mesh = plsc.VectorSubcoreMesh(core_axis_name="c", subcore_axis_name="s")

    @functools.partial(
        pl.kernel,
        mesh=mesh,
        out_type=jax.ShapeDtypeStruct((D, B), jnp.float32),
        compiler_params=pltpu.CompilerParams(needs_layout_passes=False),
        scratch_types=[
            pltpu.VMEM((1, n_grp, _G), jnp.int32),
            pltpu.VMEM((D, _G * 128), jnp.float32),
            pltpu.VMEM((D, b_per_w), jnp.float32),
            pltpu.SemaphoreType.DMA,
        ],
    )
    def gather_kernel(table_hbm, idx_hbm, out_hbm, idx_v, buf_v, cols_v, sem):
        wid = lax.axis_index("s") * info.num_cores + lax.axis_index("c")
        base = pl.multiple_of(wid * b_per_w, 128)
        pltpu.sync_copy(idx_hbm.at[pl.ds(wid, 1)], idx_v)
        lane16 = lax.iota(jnp.int32, _G)

        def group(g):
            ivec = idx_v[0, g]
            copies = []
            for u in range(_G):
                a = pl.multiple_of((ivec[u] >> 7) << 7, 128)
                copies.append(
                    pltpu.async_copy(
                        table_hbm.at[:, pl.ds(a, 128)],
                        buf_v.at[:, pl.ds(u * 128, 128)],
                        sem,
                    )
                )
            for c in copies:
                c.wait()
            pos = lane16 * 128 + (ivec & 127)
            zero16 = lane16 * 0
            for d in range(D):
                cols_v[d, pl.ds(g * _G, _G)] = plsc.load_gather(
                    buf_v, [zero16 + d, pos]
                )

        pl.loop(0, n_grp)(group)
        pltpu.sync_copy(cols_v, out_hbm.at[:, pl.ds(base, b_per_w)])

    return gather_kernel, nw, n_grp


def kernel(item_id, table):
    B, = item_id.shape
    V, D = table.shape
    gather_kernel, nw, n_grp = _build(B, V, D)
    idx = item_id.astype(jnp.int32).reshape(nw, n_grp, _G)
    out_t = gather_kernel(table.T, idx)
    return out_t.T

# --- scband reference (transcript-rebuilt; emitter-appended) ---
"""Pipeline reference for scband-item-model-3324304687150 (READ-ONLY COPY).

The authoritative reference and input builder live on the scoring server;
editing this copy changes nothing except your own understanding.
"""

import jax, jax.numpy as jnp
import numpy as np

NUM_ITEMS = 1000000
EMBED_DIM = 32
BATCH = 16384

def setup_inputs(seed: int = 0) -> dict:
    key = jax.random.key(seed)
    k_idx, k_tab = jax.random.split(key)
    item_id = jax.random.randint(k_idx, (BATCH,), 0, NUM_ITEMS, dtype=jnp.int64) if jax.config.jax_enable_x64 else jax.random.randint(k_idx, (BATCH,), 0, NUM_ITEMS, dtype=jnp.int32)
    # Embedding table: (num_items + 1, embedding_dim), Keras default uniform init
    table = jax.random.uniform(k_tab, (NUM_ITEMS + 1, EMBED_DIM), dtype=jnp.float32, minval=-0.05, maxval=0.05)
    return {"item_id": item_id, "table": table}

def reference(item_id, table):
    # Equivalent of layers.Embedding lookup: table[item_id]
    return jnp.take(table, item_id, axis=0)

if __name__ == "__main__":
    import jax
    _d = setup_inputs()
    print(jax.jit(kernel)(*tuple(_d.values())))

</pallas_src>

<mosaic_0001>
#map = affine_map<(d0, d1) -> (0, 0)>
#map1 = affine_map<(d0, d1) -> (0, 0, 0)>
module attributes {stable_mosaic.version = 14 : i64} {
  func.func @gather_kernel(%arg0: i32, %arg1: i32, %arg2: memref<32x1000001xf32, #tpu.memory_space<hbm>>, %arg3: memref<32x32x16xi32, #tpu.memory_space<hbm>>, %arg4: memref<32x16384xf32, #tpu.memory_space<hbm>>, %arg5: memref<1x32x16xi32, #tpu.memory_space<vmem>>, %arg6: memref<32x2048xf32, #tpu.memory_space<vmem>>, %arg7: memref<32x512xf32, #tpu.memory_space<vmem>>, %arg8: memref<!tpu.dma_semaphore, #tpu.memory_space<semaphore_mem>>) attributes {dimension_semantics = [#tpu.dimension_semantics<core_parallel>, #tpu.dimension_semantics<subcore_parallel>], iteration_bounds = array<i64: 2, 16>, scalar_prefetch = 0 : i64, scratch_operands = 4 : i64, tpu.core_type = #tpu.core_type<sc_vector_subcore>, window_params = [{transform_indices = #map}, {transform_indices = #map1}, {transform_indices = #map}]} {
    %mul3A = arith.constant 2 : i32
    %mul3A_0 = arith.muli %arg1, %mul3A : i32
    %add3A = arith.addi %mul3A_0, %arg0 : i32
    %mul3A_1 = arith.constant 512 : i32
    %mul3A_2 = arith.muli %add3A, %mul3A_1 : i32
    %multiple_of3A = tpu.assume_multiple %mul3A_2, 128 : i32
    "tpu.region"() ({
      %run_scoped3A = tpu.sem_alloc : memref<!tpu.dma_semaphore, #tpu.memory_space<semaphore_mem>>
      %dma_start3A = arith.constant 0 : i32
      %dma_start3A_7 = arith.constant 0 : i32
      %dma_start3A_8 = tpu.memref_slice %arg3[%add3A, %dma_start3A, %dma_start3A_7] : memref<32x32x16xi32, #tpu.memory_space<hbm>> -> memref<1x32x16xi32, #tpu.memory_space<hbm>>
      %dma_start3A_9 = arith.constant 0 : i32
      %dma_start3A_10 = arith.constant 0 : i32
      %dma_start3A_11 = tpu.memref_slice %arg3[%add3A, %dma_start3A_9, %dma_start3A_10] : memref<32x32x16xi32, #tpu.memory_space<hbm>> -> memref<1x32x16xi32, #tpu.memory_space<hbm>>
      tpu.enqueue_dma source(%dma_start3A_11 : memref<1x32x16xi32, #tpu.memory_space<hbm>>) target(%arg5 : memref<1x32x16xi32, #tpu.memory_space<vmem>>) target_semaphore(%run_scoped3A : memref<!tpu.dma_semaphore, #tpu.memory_space<semaphore_mem>>)
      %dma_wait3A = arith.constant 0 : i32
      %dma_wait3A_12 = arith.constant 0 : i32
      %dma_wait3A_13 = tpu.memref_slice %arg3[%add3A, %dma_wait3A, %dma_wait3A_12] : memref<32x32x16xi32, #tpu.memory_space<hbm>> -> memref<1x32x16xi32, #tpu.memory_space<hbm>>
      %dma_wait3A_14 = arith.constant 0 : i32
      %dma_wait3A_15 = arith.constant 0 : i32
      %dma_wait3A_16 = tpu.memref_slice %arg3[%add3A, %dma_wait3A_14, %dma_wait3A_15] : memref<32x32x16xi32, #tpu.memory_space<hbm>> -> memref<1x32x16xi32, #tpu.memory_space<hbm>>
      tpu.wait_dma2 semaphore(%run_scoped3A : memref<!tpu.dma_semaphore, #tpu.memory_space<semaphore_mem>>) src(%dma_wait3A_16 : memref<1x32x16xi32, #tpu.memory_space<hbm>>) dst(%arg5 : memref<1x32x16xi32, #tpu.memory_space<vmem>>)
      tpu.yield
    }) : () -> ()
    %iota3A = tpu.iota {dimensions = array<i32: 0>} : vector<16xi32>
    %scan3A = arith.constant 0 : i32
    %scan3A_3 = arith.constant 32 : i32
    %scan3A_4 = arith.addi %scan3A, %scan3A_3 : i32
    %scan3A_5 = arith.constant 1 : i32
    scf.for %scan3A_7 = %scan3A to %scan3A_4 step %scan3A_5  : i32 {
      %mul3A_8 = arith.constant 1 : i32
      %mul3A_9 = arith.muli %scan3A_7, %mul3A_8 : i32
      %add3A_10 = arith.constant 0 : i32
      %add3A_11 = arith.addi %add3A_10, %mul3A_9 : i32
      %get3A = arith.constant 0 : i32
      %get3A_12 = arith.index_cast %get3A : i32 to index
      %get3A_13 = arith.index_cast %add3A_11 : i32 to index
      %get3A_14 = arith.constant 0 : index
      %get3A_15 = tpu.vector_load %arg5[%get3A_12, %get3A_13, %get3A_14] {strides = array<i32>} : memref<1x32x16xi32, #tpu.memory_space<vmem>>, vector<16xi32>,
      %slice3A = vector.extract_strided_slice %get3A_15 {offsets = [0], sizes = [1], strides = [1]} : vector<16xi32> to vector<1xi32>
      %squeeze3A = vector.extract %slice3A[0] : i32 from vector<1xi32>
      %shift_right_arithmetic3A = arith.constant 7 : i32
      %shift_right_arithmetic3A_16 = arith.shrsi %squeeze3A, %shift_right_arithmetic3A : i32
      %shift_left3A = arith.constant 7 : i32
      %shift_left3A_17 = arith.shli %shift_right_arithmetic3A_16, %shift_left3A : i32
      %multiple_of3A_18 = tpu.assume_multiple %shift_left3A_17, 128 : i32
      %dma_start3A = arith.constant 0 : i32
      %dma_start3A_19 = arith.constant 0 : i32
      %dma_start3A_20 = tpu.memref_slice %arg6[%dma_start3A, %dma_start3A_19] : memref<32x2048xf32, #tpu.memory_space<vmem>> -> memref<32x128xf32, #tpu.memory_space<vmem>>
      %dma_start3A_21 = arith.constant 0 : i32
      %dma_start3A_22 = tpu.memref_slice %arg2[%dma_start3A_21, %multiple_of3A_18] : memref<32x1000001xf32, #tpu.memory_space<hbm>> -> memref<32x128xf32, #tpu.memory_space<hbm>>
      %dma_start3A_23 = arith.constant 0 : i32
      %dma_start3A_24 = arith.constant 0 : i32
      %dma_start3A_25 = tpu.memref_slice %arg6[%dma_start3A_23, %dma_start3A_24] : memref<32x2048xf32, #tpu.memory_space<vmem>> -> memref<32x128xf32, #tpu.memory_space<vmem>>
      %dma_start3A_26 = arith.constant 0 : i32
      %dma_start3A_27 = tpu.memref_slice %arg2[%dma_start3A_26, %multiple_of3A_18] : memref<32x1000001xf32, #tpu.memory_space<hbm>> -> memref<32x128xf32, #tpu.memory_space<hbm>>
      tpu.enqueue_dma source(%dma_start3A_27 : memref<32x128xf32, #tpu.memory_space<hbm>>) target(%dma_start3A_25 : memref<32x128xf32, #tpu.memory_space<vmem>>) target_semaphore(%arg8 : memref<!tpu.dma_semaphore, #tpu.memory_space<semaphore_mem>>)
      %slice3A_28 = vector.extract_strided_slice %get3A_15 {offsets = [1], sizes = [1], strides = [1]} : vector<16xi32> to vector<1xi32>
      %squeeze3A_29 = vector.extract %slice3A_28[0] : i32 from vector<1xi32>
      %shift_right_arithmetic3A_30 = arith.constant 7 : i32
      %shift_right_arithmetic3A_31 = arith.shrsi %squeeze3A_29, %shift_right_arithmetic3A_30 : i32
      %shift_left3A_32 = arith.constant 7 : i32
      %shift_left3A_33 = arith.shli %shift_right_arithmetic3A_31, %shift_left3A_32 : i32
      %multiple_of3A_34 = tpu.assume_multiple %shift_left3A_33, 128 : i32
      %dma_start3A_35 = arith.constant 0 : i32
      %dma_start3A_36 = arith.constant 128 : i32
      %dma_start3A_37 = tpu.memref_slice %arg6[%dma_start3A_35, %dma_start3A_36] : memref<32x2048xf32, #tpu.memory_space<vmem>> -> memref<32x128xf32, #tpu.memory_space<vmem>>
      %dma_start3A_38 = arith.constant 0 : i32
      %dma_start3A_39 = tpu.memref_slice %arg2[%dma_start3A_38, %multiple_of3A_34] : memref<32x1000001xf32, #tpu.memory_space<hbm>> -> memref<32x128xf32, #tpu.memory_space<hbm>>
      %dma_start3A_40 = arith.constant 0 : i32
      %dma_start3A_41 = arith.constant 128 : i32
      %dma_start3A_42 = tpu.memref_slice %arg6[%dma_start3A_40, %dma_start3A_41] : memref<32x2048xf32, #tpu.memory_space<vmem>> -> memref<32x128xf32, #tpu.memory_space<vmem>>
      %dma_start3A_43 = arith.constant 0 : i32
      %dma_start3A_44 = tpu.memref_slice %arg2[%dma_start3A_43, %multiple_of3A_34] : memref<32x1000001xf32, #tpu.memory_space<hbm>> -> memref<32x128xf32, #tpu.memory_space<hbm>>
      tpu.enqueue_dma source(%dma_start3A_44 : memref<32x128xf32, #tpu.memory_space<hbm>>) target(%dma_start3A_42 : memref<32x128xf32, #tpu.memory_space<vmem>>) target_semaphore(%arg8 : memref<!tpu.dma_semaphore, #tpu.memory_space<semaphore_mem>>)
      %slice3A_45 = vector.extract_strided_slice %get3A_15 {offsets = [2], sizes = [1], strides = [1]} : vector<16xi32> to vector<1xi32>
      %squeeze3A_46 = vector.extract %slice3A_45[0] : i32 from vector<1xi32>
      %shift_right_arithmetic3A_47 = arith.constant 7 : i32
      %shift_right_arithmetic3A_48 = arith.shrsi %squeeze3A_46, %shift_right_arithmetic3A_47 : i32
      %shift_left3A_49 = arith.constant 7 : i32
      %shift_left3A_50 = arith.shli %shift_right_arithmetic3A_48, %shift_left3A_49 : i32
      %multiple_of3A_51 = tpu.assume_multiple %shift_left3A_50, 128 : i32
      %dma_start3A_52 = arith.constant 0 : i32
      %dma_start3A_53 = arith.constant 256 : i32
      %dma_start3A_54 = tpu.memref_slice %arg6[%dma_start3A_52, %dma_start3A_53] : memref<32x2048xf32, #tpu.memory_space<vmem>> -> memref<32x128xf32, #tpu.memory_space<vmem>>
      %dma_start3A_55 = arith.constant 0 : i32
      %dma_start3A_56 = tpu.memref_slice %arg2[%dma_start3A_55, %multiple_of3A_51] : memref<32x1000001xf32, #tpu.memory_space<hbm>> -> memref<32x128xf32, #tpu.memory_space<hbm>>
      %dma_start3A_57 = arith.constant 0 : i32
      %dma_start3A_58 = arith.constant 256 : i32
      %dma_start3A_59 = tpu.memref_slice %arg6[%dma_start3A_57, %dma_start3A_58] : memref<32x2048xf32, #tpu.memory_space<vmem>> -> memref<32x128xf32, #tpu.memory_space<vmem>>
      %dma_start3A_60 = arith.constant 0 : i32
      %dma_start3A_61 = tpu.memref_slice %arg2[%dma_start3A_60, %multiple_of3A_51] : memref<32x1000001xf32, #tpu.memory_space<hbm>> -> memref<32x128xf32, #tpu.memory_space<hbm>>
      tpu.enqueue_dma source(%dma_start3A_61 : memref<32x128xf32, #tpu.memory_space<hbm>>) target(%dma_start3A_59 : memref<32x128xf32, #tpu.memory_space<vmem>>) target_semaphore(%arg8 : memref<!tpu.dma_semaphore, #tpu.memory_space<semaphore_mem>>)
      %slice3A_62 = vector.extract_strided_slice %get3A_15 {offsets = [3], sizes = [1], strides = [1]} : vector<16xi32> to vector<1xi32>
      %squeeze3A_63 = vector.extract %slice3A_62[0] : i32 from vector<1xi32>
      %shift_right_arithmetic3A_64 = arith.constant 7 : i32
      %shift_right_arithmetic3A_65 = arith.shrsi %squeeze3A_63, %shift_right_arithmetic3A_64 : i32
      %shift_left3A_66 = arith.constant 7 : i32
      %shift_left3A_67 = arith.shli %shift_right_arithmetic3A_65, %shift_left3A_66 : i32
      %multiple_of3A_68 = tpu.assume_multiple %shift_left3A_67, 128 : i32
      %dma_start3A_69 = arith.constant 0 : i32
      %dma_start3A_70 = arith.constant 384 : i32
      %dma_start3A_71 = tpu.memref_slice %arg6[%dma_start3A_69, %dma_start3A_70] : memref<32x2048xf32, #tpu.memory_space<vmem>> -> memref<32x128xf32, #tpu.memory_space<vmem>>
      %dma_start3A_72 = arith.constant 0 : i32
      %dma_start3A_73 = tpu.memref_slice %arg2[%dma_start3A_72, %multiple_of3A_68] : memref<32x1000001xf32, #tpu.memory_space<hbm>> -> memref<32x128xf32, #tpu.memory_space<hbm>>
      %dma_start3A_74 = arith.constant 0 : i32
      %dma_start3A_75 = arith.constant 384 : i32
      %dma_start3A_76 = tpu.memref_slice %arg6[%dma_start3A_74, %dma_start3A_75] : memref<32x2048xf32, #tpu.memory_space<vmem>> -> memref<32x128xf32, #tpu.memory_space<vmem>>
      %dma_start3A_77 = arith.constant 0 : i32
      %dma_start3A_78 = tpu.memref_slice %arg2[%dma_start3A_77, %multiple_of3A_68] : memref<32x1000001xf32, #tpu.memory_space<hbm>> -> memref<32x128xf32, #tpu.memory_space<hbm>>
      tpu.enqueue_dma source(%dma_start3A_78 : memref<32x128xf32, #tpu.memory_space<hbm>>) target(%dma_start3A_76 : memref<32x128xf32, #tpu.memory_space<vmem>>) target_semaphore(%arg8 : memref<!tpu.dma_semaphore, #tpu.memory_space<semaphore_mem>>)
      %slice3A_79 = vector.extract_strided_slice %get3A_15 {offsets = [4], sizes = [1], strides = [1]} : vector<16xi32> to vector<1xi32>
      %squeeze3A_80 = vector.extract %slice3A_79[0] : i32 from vector<1xi32>
      %shift_right_arithmetic3A_81 = arith.constant 7 : i32
      %shift_right_arithmetic3A_82 = arith.shrsi %squeeze3A_80, %shift_right_arithmetic3A_81 : i32
      %shift_left3A_83 = arith.constant 7 : i32
      %shift_left3A_84 = arith.shli %shift_right_arithmetic3A_82, %shift_left3A_83 : i32
      %multiple_of3A_85 = tpu.assume_multiple %shift_left3A_84, 128 : i32
      %dma_start3A_86 = arith.constant 0 : i32
      %dma_start3A_87 = arith.constant 512 : i32
      %dma_start3A_88 = tpu.memref_slice %arg6[%dma_start3A_86, %dma_start3A_87] : memref<32x2048xf32, #tpu.memory_space<vmem>> -> memref<32x128xf32, #tpu.memory_space<vmem>>
      %dma_start3A_89 = arith.constant 0 : i32
      %dma_start3A_90 = tpu.memref_slice %arg2[%dma_start3A_89, %multiple_of3A_85] : memref<32x1000001xf32, #tpu.memory_space<hbm>> -> memref<32x128xf32, #tpu.memory_space<hbm>>
      %dma_start3A_91 = arith.constant 0 : i32
      %dma_start3A_92 = arith.constant 512 : i32
      %dma_start3A_93 = tpu.memref_slice %arg6[%dma_start3A_91, %dma_start3A_92] : memref<32x2048xf32, #tpu.memory_space<vmem>> -> memref<32x128xf32, #tpu.memory_space<vmem>>
      %dma_start3A_94 = arith.constant 0 : i32
      %dma_start3A_95 = tpu.memref_slice %arg2[%dma_start3A_94, %multiple_of3A_85] : memref<32x1000001xf32, #tpu.memory_space<hbm>> -> memref<32x128xf32, #tpu.memory_space<hbm>>
      tpu.enqueue_dma source(%dma_start3A_95 : memref<32x128xf32, #tpu.memory_space<hbm>>) target(%dma_start3A_93 : memref<32x128xf32, #tpu.memory_space<vmem>>) target_semaphore(%arg8 : memref<!tpu.dma_semaphore, #tpu.memory_space<semaphore_mem>>)
      %slice3A_96 = vector.extract_strided_slice %get3A_15 {offsets = [5], sizes = [1], strides = [1]} : vector<16xi32> to vector<1xi32>
      %squeeze3A_97 = vector.extract %slice3A_96[0] : i32 from vector<1xi32>
      %shift_right_arithmetic3A_98 = arith.constant 7 : i32
      %shift_right_arithmetic3A_99 = arith.shrsi %squeeze3A_97, %shift_right_arithmetic3A_98 : i32
      %shift_left3A_100 = arith.constant 7 : i32
      %shift_left3A_101 = arith.shli %shift_right_arithmetic3A_99, %shift_left3A_100 : i32
      %multiple_of3A_102 = tpu.assume_multiple %shift_left3A_101, 128 : i32
      %dma_start3A_103 = arith.constant 0 : i32
      %dma_start3A_104 = arith.constant 640 : i32
      %dma_start3A_105 = tpu.memref_slice %arg6[%dma_start3A_103, %dma_start3A_104] : memref<32x2048xf32, #tpu.memory_space<vmem>> -> memref<32x128xf32, #tpu.memory_space<vmem>>
      %dma_start3A_106 = arith.constant 0 : i32
      %dma_start3A_107 = tpu.memref_slice %arg2[%dma_start3A_106, %multiple_of3A_102] : memref<32x1000001xf32, #tpu.memory_space<hbm>> -> memref<32x128xf32, #tpu.memory_space<hbm>>
      %dma_start3A_108 = arith.constant 0 : i32
      %dma_start3A_109 = arith.constant 640 : i32
      %dma_start3A_110 = tpu.memref_slice %arg6[%dma_start3A_108, %dma_start3A_109] : memref<32x2048xf32, #tpu.memory_space<vmem>> -> memref<32x128xf32, #tpu.memory_space<vmem>>
      %dma_start3A_111 = arith.constant 0 : i32
      %dma_start3A_112 = tpu.memref_slice %arg2[%dma_start3A_111, %multiple_of3A_102] : memref<32x1000001xf32, #tpu.memory_space<hbm>> -> memref<32x128xf32, #tpu.memory_space<hbm>>
      tpu.enqueue_dma source(%dma_start3A_112 : memref<32x128xf32, #tpu.memory_space<hbm>>) target(%dma_start3A_110 : memref<32x128xf32, #tpu.memory_space<vmem>>) target_semaphore(%arg8 : memref<!tpu.dma_semaphore, #tpu.memory_space<semaphore_mem>>)
      %slice3A_113 = vector.extract_strided_slice %get3A_15 {offsets = [6], sizes = [1], strides = [1]} : vector<16xi32> to vector<1xi32>
      %squeeze3A_114 = vector.extract %slice3A_113[0] : i32 from vector<1xi32>
      %shift_right_arithmetic3A_115 = arith.constant 7 : i32
      %shift_right_arithmetic3A_116 = arith.shrsi %squeeze3A_114, %shift_right_arithmetic3A_115 : i32
      %shift_left3A_117 = arith.constant 7 : i32
      %shift_left3A_118 = arith.shli %shift_right_arithmetic3A_116, %shift_left3A_117 : i32
      %multiple_of3A_119 = tpu.assume_multiple %shift_left3A_118, 128 : i32
      %dma_start3A_120 = arith.constant 0 : i32
      %dma_start3A_121 = arith.constant 768 : i32
      %dma_start3A_122 = tpu.memref_slice %arg6[%dma_start3A_120, %dma_start3A_121] : memref<32x2048xf32, #tpu.memory_space<vmem>> -> memref<32x128xf32, #tpu.memory_space<vmem>>
      %dma_start3A_123 = arith.constant 0 : i32
      %dma_start3A_124 = tpu.memref_slice %arg2[%dma_start3A_123, %multiple_of3A_119] : memref<32x1000001xf32, #tpu.memory_space<hbm>> -> memref<32x128xf32, #tpu.memory_space<hbm>>
      %dma_start3A_125 = arith.constant 0 : i32
      %dma_start3A_126 = arith.constant 768 : i32
      %dma_start3A_127 = tpu.memref_slice %arg6[%dma_start3A_125, %dma_start3A_126] : memref<32x2048xf32, #tpu.memory_space<vmem>> -> memref<32x128xf32, #tpu.memory_space<vmem>>
      %dma_start3A_128 = arith.constant 0 : i32
      %dma_start3A_129 = tpu.memref_slice %arg2[%dma_start3A_128, %multiple_of3A_119] : memref<32x1000001xf32, #tpu.memory_space<hbm>> -> memref<32x128xf32, #tpu.memory_space<hbm>>
      tpu.enqueue_dma source(%dma_start3A_129 : memref<32x128xf32, #tpu.memory_space<hbm>>) target(%dma_start3A_127 : memref<32x128xf32, #tpu.memory_space<vmem>>) target_semaphore(%arg8 : memref<!tpu.dma_semaphore, #tpu.memory_space<semaphore_mem>>)
      %slice3A_130 = vector.extract_strided_slice %get3A_15 {offsets = [7], sizes = [1], strides = [1]} : vector<16xi32> to vector<1xi32>
      %squeeze3A_131 = vector.extract %slice3A_130[0] : i32 from vector<1xi32>
      %shift_right_arithmetic3A_132 = arith.constant 7 : i32
      %shift_right_arithmetic3A_133 = arith.shrsi %squeeze3A_131, %shift_right_arithmetic3A_132 : i32
      %shift_left3A_134 = arith.constant 7 : i32
      %shift_left3A_135 = arith.shli %shift_right_arithmetic3A_133, %shift_left3A_134 : i32
      %multiple_of3A_136 = tpu.assume_multiple %shift_left3A_135, 128 : i32
      %dma_start3A_137 = arith.constant 0 : i32
      %dma_start3A_138 = arith.constant 896 : i32
      %dma_start3A_139 = tpu.memref_slice %arg6[%dma_start3A_137, %dma_start3A_138] : memref<32x2048xf32, #tpu.memory_space<vmem>> -> memref<32x128xf32, #tpu.memory_space<vmem>>
      %dma_start3A_140 = arith.constant 0 : i32
      %dma_start3A_141 = tpu.memref_slice %arg2[%dma_start3A_140, %multiple_of3A_136] : memref<32x1000001xf32, #tpu.memory_space<hbm>> -> memref<32x128xf32, #tpu.memory_space<hbm>>
      %dma_start3A_142 = arith.constant 0 : i32
      %dma_start3A_143 = arith.constant 896 : i32
      %dma_start3A_144 = tpu.memref_slice %arg6[%dma_start3A_142, %dma_start3A_143] : memref<32x2048xf32, #tpu.memory_space<vmem>> -> memref<32x128xf32, #tpu.memory_space<vmem>>
      %dma_start3A_145 = arith.constant 0 : i32
      %dma_start3A_146 = tpu.memref_slice %arg2[%dma_start3A_145, %multiple_of3A_136] : memref<32x1000001xf32, #tpu.memory_space<hbm>> -> memref<32x128xf32, #tpu.memory_space<hbm>>
      tpu.enqueue_dma source(%dma_start3A_146 : memref<32x128xf32, #tpu.memory_space<hbm>>) target(%dma_start3A_144 : memref<32x128xf32, #tpu.memory_space<vmem>>) target_semaphore(%arg8 : memref<!tpu.dma_semaphore, #tpu.memory_space<semaphore_mem>>)
      %slice3A_147 = vector.extract_strided_slice %get3A_15 {offsets = [8], sizes = [1], strides = [1]} : vector<16xi32> to vector<1xi32>
      %squeeze3A_148 = vector.extract %slice3A_147[0] : i32 from vector<1xi32>
      %shift_right_arithmetic3A_149 = arith.constant 7 : i32
      %shift_right_arithmetic3A_150 = arith.shrsi %squeeze3A_148, %shift_right_arithmetic3A_149 : i32
      %shift_left3A_151 = arith.constant 7 : i32
      %shift_left3A_152 = arith.shli %shift_right_arithmetic3A_150, %shift_left3A_151 : i32
      %multiple_of3A_153 = tpu.assume_multiple %shift_left3A_152, 128 : i32
      %dma_start3A_154 = arith.constant 0 : i32
      %dma_start3A_155 = arith.constant 1024 : i32
      %dma_start3A_156 = tpu.memref_slice %arg6[%dma_start3A_154, %dma_start3A_155] : memref<32x2048xf32, #tpu.memory_space<vmem>> -> memref<32x128xf32, #tpu.memory_space<vmem>>
      %dma_start3A_157 = arith.constant 0 : i32
      %dma_start3A_158 = tpu.memref_slice %arg2[%dma_start3A_157, %multiple_of3A_153] : memref<32x1000001xf32, #tpu.memory_space<hbm>> -> memref<32x128xf32, #tpu.memory_space<hbm>>
      %dma_start3A_159 = arith.constant 0 : i32
      %dma_start3A_160 = arith.constant 1024 : i32
      %dma_start3A_161 = tpu.memref_slice %arg6[%dma_start3A_159, %dma_start3A_160] : memref<32x2048xf32, #tpu.memory_space<vmem>> -> memref<32x128xf32, #tpu.memory_space<vmem>>
      %dma_start3A_162 = arith.constant 0 : i32
      %dma_start3A_163 = tpu.memref_slice %arg2[%dma_start3A_162, %multiple_of3A_153] : memref<32x1000001xf32, #tpu.memory_space<hbm>> -> memref<32x128xf32, #tpu.memory_space<hbm>>
      tpu.enqueue_dma source(%dma_start3A_163 : memref<32x128xf32, #tpu.memory_space<hbm>>) target(%dma_start3A_161 : memref<32x128xf32, #tpu.memory_space<vmem>>) target_semaphore(%arg8 : memref<!tpu.dma_semaphore, #tpu.memory_space<semaphore_mem>>)
      %slice3A_164 = vector.extract_strided_slice %get3A_15 {offsets = [9], sizes = [1], strides = [1]} : vector<16xi32> to vector<1xi32>
      %squeeze3A_165 = vector.extract %slice3A_164[0] : i32 from vector<1xi32>
      %shift_right_arithmetic3A_166 = arith.constant 7 : i32
      %shift_right_arithmetic3A_167 = arith.shrsi %squeeze3A_165, %shift_right_arithmetic3A_166 : i32
      %shift_left3A_168 = arith.constant 7 : i32
      %shift_left3A_169 = arith.shli %shift_right_arithmetic3A_167, %shift_left3A_168 : i32
      %multiple_of3A_170 = tpu.assume_multiple %shift_left3A_169, 128 : i32
      %dma_start3A_171 = arith.constant 0 : i32
      %dma_start3A_172 = arith.constant 1152 : i32
      %dma_start3A_173 = tpu.memref_slice %arg6[%dma_start3A_171, %dma_start3A_172] : memref<32x2048xf32, #tpu.memory_space<vmem>> -> memref<32x128xf32, #tpu.memory_space<vmem>>
      %dma_start3A_174 = arith.constant 0 : i32
      %dma_start3A_175 = tpu.memref_slice %arg2[%dma_start3A_174, %multiple_of3A_170] : memref<32x1000001xf32, #tpu.memory_space<hbm>> -> memref<32x128xf32, #tpu.memory_space<hbm>>
      %dma_start3A_176 = arith.constant 0 : i32
      %dma_start3A_177 = arith.constant 1152 : i32
      %dma_start3A_178 = tpu.memref_slice %arg6[%dma_start3A_176, %dma_start3A_177] : memref<32x2048xf32, #tpu.memory_space<vmem>> -> memref<32x128xf32, #tpu.memory_space<vmem>>
      %dma_start3A_179 = arith.constant 0 : i32
      %dma_start3A_180 = tpu.memref_slice %arg2[%dma_start3A_179, %multiple_of3A_170] : memref<32x1000001xf32, #tpu.memory_space<hbm>> -> memref<32x128xf32, #tpu.memory_space<hbm>>
      tpu.enqueue_dma source(%dma_start3A_180 : memref<32x128xf32, #tpu.memory_space<hbm>>) target(%dma_start3A_178 : memref<32x128xf32, #tpu.memory_space<vmem>>) target_semaphore(%arg8 : memref<!tpu.dma_semaphore, #tpu.memory_space<semaphore_mem>>)
      %slice3A_181 = vector.extract_strided_slice %get3A_15 {offsets = [10], sizes = [1], strides = [1]} : vector<16xi32> to vector<1xi32>
      %squeeze3A_182 = vector.extract %slice3A_181[0] : i32 from vector<1xi32>
      %shift_right_arithmetic3A_183 = arith.constant 7 : i32
      %shift_right_arithmetic3A_184 = arith.shrsi %squeeze3A_182, %shift_right_arithmetic3A_183 : i32
      %shift_left3A_185 = arith.constant 7 : i32
      %shift_left3A_186 = arith.shli %shift_right_arithmetic3A_184, %shift_left3A_185 : i32
      %multiple_of3A_187 = tpu.assume_multiple %shift_left3A_186, 128 : i32
      %dma_start3A_188 = arith.constant 0 : i32
      %dma_start3A_189 = arith.constant 1280 : i32
      %dma_start3A_190 = tpu.memref_slice %arg6[%dma_start3A_188, %dma_start3A_189] : memref<32x2048xf32, #tpu.memory_space<vmem>> -> memref<32x128xf32, #tpu.memory_space<vmem>>
      %dma_start3A_191 = arith.constant 0 : i32
      %dma_start3A_192 = tpu.memref_slice %arg2[%dma_start3A_191, %multiple_of3A_187] : memref<32x1000001xf32, #tpu.memory_space<hbm>> -> memref<32x128xf32, #tpu.memory_space<hbm>>
      %dma_start3A_193 = arith.constant 0 : i32
      %dma_start3A_194 = arith.constant 1280 : i32
      %dma_start3A_195 = tpu.memref_slice %arg6[%dma_start3A_193, %dma_start3A_194] : memref<32x2048xf32, #tpu.memory_space<vmem>> -> memref<32x128xf32, #tpu.memory_space<vmem>>
      %dma_start3A_196 = arith.constant 0 : i32
      %dma_start3A_197 = tpu.memref_slice %arg2[%dma_start3A_196, %multiple_of3A_187] : memref<32x1000001xf32, #tpu.memory_space<hbm>> -> memref<32x128xf32, #tpu.memory_space<hbm>>
      tpu.enqueue_dma source(%dma_start3A_197 : memref<32x128xf32, #tpu.memory_space<hbm>>) target(%dma_start3A_195 : memref<32x128xf32, #tpu.memory_space<vmem>>) target_semaphore(%arg8 : memref<!tpu.dma_semaphore, #tpu.memory_space<semaphore_mem>>)
      %slice3A_198 = vector.extract_strided_slice %get3A_15 {offsets = [11], sizes = [1], strides = [1]} : vector<16xi32> to vector<1xi32>
      %squeeze3A_199 = vector.extract %slice3A_198[0] : i32 from vector<1xi32>
      %shift_right_arithmetic3A_200 = arith.constant 7 : i32
      %shift_right_arithmetic3A_201 = arith.shrsi %squeeze3A_199, %shift_right_arithmetic3A_200 : i32
      %shift_left3A_202 = arith.constant 7 : i32
      %shift_left3A_203 = arith.shli %shift_right_arithmetic3A_201, %shift_left3A_202 : i32
      %multiple_of3A_204 = tpu.assume_multiple %shift_left3A_203, 128 : i32
      %dma_start3A_205 = arith.constant 0 : i32
      %dma_start3A_206 = arith.constant 1408 : i32
      %dma_start3A_207 = tpu.memref_slice %arg6[%dma_start3A_205, %dma_start3A_206] : memref<32x2048xf32, #tpu.memory_space<vmem>> -> memref<32x128xf32, #tpu.memory_space<vmem>>
      %dma_start3A_208 = arith.constant 0 : i32
      %dma_start3A_209 = tpu.memref_slice %arg2[%dma_start3A_208, %multiple_of3A_204] : memref<32x1000001xf32, #tpu.memory_space<hbm>> -> memref<32x128xf32, #tpu.memory_space<hbm>>
      %dma_start3A_210 = arith.constant 0 : i32
      %dma_start3A_211 = arith.constant 1408 : i32
      %dma_start3A_212 = tpu.memref_slice %arg6[%dma_start3A_210, %dma_start3A_211] : memref<32x2048xf32, #tpu.memory_space<vmem>> -> memref<32x128xf32, #tpu.memory_space<vmem>>
      %dma_start3A_213 = arith.constant 0 : i32
      %dma_start3A_214 = tpu.memref_slice %arg2[%dma_start3A_213, %multiple_of3A_204] : memref<32x1000001xf32, #tpu.memory_space<hbm>> -> memref<32x128xf32, #tpu.memory_space<hbm>>
      tpu.enqueue_dma source(%dma_start3A_214 : memref<32x128xf32, #tpu.memory_space<hbm>>) target(%dma_start3A_212 : memref<32x128xf32, #tpu.memory_space<vmem>>) target_semaphore(%arg8 : memref<!tpu.dma_semaphore, #tpu.memory_space<semaphore_mem>>)
      %slice3A_215 = vector.extract_strided_slice %get3A_15 {offsets = [12], sizes = [1], strides = [1]} : vector<16xi32> to vector<1xi32>
      %squeeze3A_216 = vector.extract %slice3A_215[0] : i32 from vector<1xi32>
      %shift_right_arithmetic3A_217 = arith.constant 7 : i32
      %shift_right_arithmetic3A_218 = arith.shrsi %squeeze3A_216, %shift_right_arithmetic3A_217 : i32
      %shift_left3A_219 = arith.constant 7 : i32
      %shift_left3A_220 = arith.shli %shift_right_arithmetic3A_218, %shift_left3A_219 : i32
      %multiple_of3A_221 = tpu.assume_multiple %shift_left3A_220, 128 : i32
      %dma_start3A_222 = arith.constant 0 : i32
      %dma_start3A_223 = arith.constant 1536 : i32
      %dma_start3A_224 = tpu.memref_slice %arg6[%dma_start3A_222, %dma_start3A_223] : memref<32x2048xf32, #tpu.memory_space<vmem>> -> memref<32x128xf32, #tpu.memory_space<vmem>>
      %dma_start3A_225 = arith.constant 0 : i32
      %dma_start3A_226 = tpu.memref_slice %arg2[%dma_start3A_225, %multiple_of3A_221] : memref<32x1000001xf32, #tpu.memory_space<hbm>> -> memref<32x128xf32, #tpu.memory_space<hbm>>
      %dma_start3A_227 = arith.constant 0 : i32
      %dma_start3A_228 = arith.constant 1536 : i32
      %dma_start3A_229 = tpu.memref_slice %arg6[%dma_start3A_227, %dma_start3A_228] : memref<32x2048xf32, #tpu.memory_space<vmem>> -> memref<32x128xf32, #tpu.memory_space<vmem>>
      %dma_start3A_230 = arith.constant 0 : i32
      %dma_start3A_231 = tpu.memref_slice %arg2[%dma_start3A_230, %multiple_of3A_221] : memref<32x1000001xf32, #tpu.memory_space<hbm>> -> memref<32x128xf32, #tpu.memory_space<hbm>>
      tpu.enqueue_dma source(%dma_start3A_231 : memref<32x128xf32, #tpu.memory_space<hbm>>) target(%dma_start3A_229 : memref<32x128xf32, #tpu.memory_space<vmem>>) target_semaphore(%arg8 : memref<!tpu.dma_semaphore, #tpu.memory_space<semaphore_mem>>)
      %slice3A_232 = vector.extract_strided_slice %get3A_15 {offsets = [13], sizes = [1], strides = [1]} : vector<16xi32> to vector<1xi32>
      %squeeze3A_233 = vector.extract %slice3A_232[0] : i32 from vector<1xi32>
      %shift_right_arithmetic3A_234 = arith.constant 7 : i32
      %shift_right_arithmetic3A_235 = arith.shrsi %squeeze3A_233, %shift_right_arithmetic3A_234 : i32
      %shift_left3A_236 = arith.constant 7 : i32
      %shift_left3A_237 = arith.shli %shift_right_arithmetic3A_235, %shift_left3A_236 : i32
      %multiple_of3A_238 = tpu.assume_multiple %shift_left3A_237, 128 : i32
      %dma_start3A_239 = arith.constant 0 : i32
      %dma_start3A_240 = arith.constant 1664 : i32
      %dma_start3A_241 = tpu.memref_slice %arg6[%dma_start3A_239, %dma_start3A_240] : memref<32x2048xf32, #tpu.memory_space<vmem>> -> memref<32x128xf32, #tpu.memory_space<vmem>>
      %dma_start3A_242 = arith.constant 0 : i32
      %dma_start3A_243 = tpu.memref_slice %arg2[%dma_start3A_242, %multiple_of3A_238] : memref<32x1000001xf32, #tpu.memory_space<hbm>> -> memref<32x128xf32, #tpu.memory_space<hbm>>
      %dma_start3A_244 = arith.constant 0 : i32
      %dma_start3A_245 = arith.constant 1664 : i32
      %dma_start3A_246 = tpu.memref_slice %arg6[%dma_start3A_244, %dma_start3A_245] : memref<32x2048xf32, #tpu.memory_space<vmem>> -> memref<32x128xf32, #tpu.memory_space<vmem>>
      %dma_start3A_247 = arith.constant 0 : i32
      %dma_start3A_248 = tpu.memref_slice %arg2[%dma_start3A_247, %multiple_of3A_238] : memref<32x1000001xf32, #tpu.memory_space<hbm>> -> memref<32x128xf32, #tpu.memory_space<hbm>>
      tpu.enqueue_dma source(%dma_start3A_248 : memref<32x128xf32, #tpu.memory_space<hbm>>) target(%dma_start3A_246 : memref<32x128xf32, #tpu.memory_space<vmem>>) target_semaphore(%arg8 : memref<!tpu.dma_semaphore, #tpu.memory_space<semaphore_mem>>)
      %slice3A_249 = vector.extract_strided_slice %get3A_15 {offsets = [14], sizes = [1], strides = [1]} : vector<16xi32> to vector<1xi32>
      %squeeze3A_250 = vector.extract %slice3A_249[0] : i32 from vector<1xi32>
      %shift_right_arithmetic3A_251 = arith.constant 7 : i32
      %shift_right_arithmetic3A_252 = arith.shrsi %squeeze3A_250, %shift_right_arithmetic3A_251 : i32
      %shift_left3A_253 = arith.constant 7 : i32
      %shift_left3A_254 = arith.shli %shift_right_arithmetic3A_252, %shift_left3A_253 : i32
      %multiple_of3A_255 = tpu.assume_multiple %shift_left3A_254, 128 : i32
      %dma_start3A_256 = arith.constant 0 : i32
      %dma_start3A_257 = arith.constant 1792 : i32
      %dma_start3A_258 = tpu.memref_slice %arg6[%dma_start3A_256, %dma_start3A_257] : memref<32x2048xf32, #tpu.memory_space<vmem>> -> memref<32x128xf32, #tpu.memory_space<vmem>>
      %dma_start3A_259 = arith.constant 0 : i32
      %dma_start3A_260 = tpu.memref_slice %arg2[%dma_start3A_259, %multiple_of3A_255] : memref<32x1000001xf32, #tpu.memory_space<hbm>> -> memref<32x128xf32, #tpu.memory_space<hbm>>
      %dma_start3A_261 = arith.constant 0 : i32
      %dma_start3A_262 = arith.constant 1792 : i32
      %dma_start3A_263 = tpu.memref_slice %arg6[%dma_start3A_261, %dma_start3A_262] : memref<32x2048xf32, #tpu.memory_space<vmem>> -> memref<32x128xf32, #tpu.memory_space<vmem>>
      %dma_start3A_264 = arith.constant 0 : i32
      %dma_start3A_265 = tpu.memref_slice %arg2[%dma_start3A_264, %multiple_of3A_255] : memref<32x1000001xf32, #tpu.memory_space<hbm>> -> memref<32x128xf32, #tpu.memory_space<hbm>>
      tpu.enqueue_dma source(%dma_start3A_265 : memref<32x128xf32, #tpu.memory_space<hbm>>) target(%dma_start3A_263 : memref<32x128xf32, #tpu.memory_space<vmem>>) target_semaphore(%arg8 : memref<!tpu.dma_semaphore, #tpu.memory_space<semaphore_mem>>)
      %slice3A_266 = vector.extract_strided_slice %get3A_15 {offsets = [15], sizes = [1], strides = [1]} : vector<16xi32> to vector<1xi32>
      %squeeze3A_267 = vector.extract %slice3A_266[0] : i32 from vector<1xi32>
      %shift_right_arithmetic3A_268 = arith.constant 7 : i32
      %shift_right_arithmetic3A_269 = arith.shrsi %squeeze3A_267, %shift_right_arithmetic3A_268 : i32
      %shift_left3A_270 = arith.constant 7 : i32
      %shift_left3A_271 = arith.shli %shift_right_arithmetic3A_269, %shift_left3A_270 : i32
      %multiple_of3A_272 = tpu.assume_multiple %shift_left3A_271, 128 : i32
      %dma_start3A_273 = arith.constant 0 : i32
      %dma_start3A_274 = arith.constant 1920 : i32
      %dma_start3A_275 = tpu.memref_slice %arg6[%dma_start3A_273, %dma_start3A_274] : memref<32x2048xf32, #tpu.memory_space<vmem>> -> memref<32x128xf32, #tpu.memory_space<vmem>>
      %dma_start3A_276 = arith.constant 0 : i32
      %dma_start3A_277 = tpu.memref_slice %arg2[%dma_start3A_276, %multiple_of3A_272] : memref<32x1000001xf32, #tpu.memory_space<hbm>> -> memref<32x128xf32, #tpu.memory_space<hbm>>
      %dma_start3A_278 = arith.constant 0 : i32
      %dma_start3A_279 = arith.constant 1920 : i32
      %dma_start3A_280 = tpu.memref_slice %arg6[%dma_start3A_278, %dma_start3A_279] : memref<32x2048xf32, #tpu.memory_space<vmem>> -> memref<32x128xf32, #tpu.memory_space<vmem>>
      %dma_start3A_281 = arith.constant 0 : i32
      %dma_start3A_282 = tpu.memref_slice %arg2[%dma_start3A_281, %multiple_of3A_272] : memref<32x1000001xf32, #tpu.memory_space<hbm>> -> memref<32x128xf32, #tpu.memory_space<hbm>>
      tpu.enqueue_dma source(%dma_start3A_282 : memref<32x128xf32, #tpu.memory_space<hbm>>) target(%dma_start3A_280 : memref<32x128xf32, #tpu.memory_space<vmem>>) target_semaphore(%arg8 : memref<!tpu.dma_semaphore, #tpu.memory_space<semaphore_mem>>)
      %dma_wait3A = arith.constant 0 : i32
      %dma_wait3A_283 = arith.constant 0 : i32
      %dma_wait3A_284 = tpu.memref_slice %arg6[%dma_wait3A, %dma_wait3A_283] : memref<32x2048xf32, #tpu.memory_space<vmem>> -> memref<32x128xf32, #tpu.memory_space<vmem>>
      %dma_wait3A_285 = arith.constant 0 : i32
      %dma_wait3A_286 = tpu.memref_slice %arg2[%dma_wait3A_285, %multiple_of3A_18] : memref<32x1000001xf32, #tpu.memory_space<hbm>> -> memref<32x128xf32, #tpu.memory_space<hbm>>
      %dma_wait3A_287 = arith.constant 0 : i32
      %dma_wait3A_288 = arith.constant 0 : i32
      %dma_wait3A_289 = tpu.memref_slice %arg6[%dma_wait3A_287, %dma_wait3A_288] : memref<32x2048xf32, #tpu.memory_space<vmem>> -> memref<32x128xf32, #tpu.memory_space<vmem>>
      %dma_wait3A_290 = arith.constant 0 : i32
      %dma_wait3A_291 = tpu.memref_slice %arg2[%dma_wait3A_290, %multiple_of3A_18] : memref<32x1000001xf32, #tpu.memory_space<hbm>> -> memref<32x128xf32, #tpu.memory_space<hbm>>
      tpu.wait_dma2 semaphore(%arg8 : memref<!tpu.dma_semaphore, #tpu.memory_space<semaphore_mem>>) src(%dma_wait3A_291 : memref<32x128xf32, #tpu.memory_space<hbm>>) dst(%dma_wait3A_289 : memref<32x128xf32, #tpu.memory_space<vmem>>)
      %dma_wait3A_292 = arith.constant 0 : i32
      %dma_wait3A_293 = arith.constant 128 : i32
      %dma_wait3A_294 = tpu.memref_slice %arg6[%dma_wait3A_292, %dma_wait3A_293] : memref<32x2048xf32, #tpu.memory_space<vmem>> -> memref<32x128xf32, #tpu.memory_space<vmem>>
      %dma_wait3A_295 = arith.constant 0 : i32
      %dma_wait3A_296 = tpu.memref_slice %arg2[%dma_wait3A_295, %multiple_of3A_34] : memref<32x1000001xf32, #tpu.memory_space<hbm>> -> memref<32x128xf32, #tpu.memory_space<hbm>>
      %dma_wait3A_297 = arith.constant 0 : i32
      %dma_wait3A_298 = arith.constant 128 : i32
      %dma_wait3A_299 = tpu.memref_slice %arg6[%dma_wait3A_297, %dma_wait3A_298] : memref<32x2048xf32, #tpu.memory_space<vmem>> -> memref<32x128xf32, #tpu.memory_space<vmem>>
      %dma_wait3A_300 = arith.constant 0 : i32
      %dma_wait3A_301 = tpu.memref_slice %arg2[%dma_wait3A_300, %multiple_of3A_34] : memref<32x1000001xf32, #tpu.memory_space<hbm>> -> memref<32x128xf32, #tpu.memory_space<hbm>>
      tpu.wait_dma2 semaphore(%arg8 : memref<!tpu.dma_semaphore, #tpu.memory_space<semaphore_mem>>) src(%dma_wait3A_301 : memref<32x128xf32, #tpu.memory_space<hbm>>) dst(%dma_wait3A_299 : memref<32x128xf32, #tpu.memory_space<vmem>>)
      %dma_wait3A_302 = arith.constant 0 : i32
      %dma_wait3A_303 = arith.constant 256 : i32
      %dma_wait3A_304 = tpu.memref_slice %arg6[%dma_wait3A_302, %dma_wait3A_303] : memref<32x2048xf32, #tpu.memory_space<vmem>> -> memref<32x128xf32, #tpu.memory_space<vmem>>
      %dma_wait3A_305 = arith.constant 0 : i32
      %dma_wait3A_306 = tpu.memref_slice %arg2[%dma_wait3A_305, %multiple_of3A_51] : memref<32x1000001xf32, #tpu.memory_space<hbm>> -> memref<32x128xf32, #tpu.memory_space<hbm>>
      %dma_wait3A_307 = arith.constant 0 : i32
      %dma_wait3A_308 = arith.constant 256 : i32
      %dma_wait3A_309 = tpu.memref_slice %arg6[%dma_wait3A_307, %dma_wait3A_308] : memref<32x2048xf32, #tpu.memory_space<vmem>> -> memref<32x128xf32, #tpu.memory_space<vmem>>
      %dma_wait3A_310 = arith.constant 0 : i32
      %dma_wait3A_311 = tpu.memref_slice %arg2[%dma_wait3A_310, %multiple_of3A_51] : memref<32x1000001xf32, #tpu.memory_space<hbm>> -> memref<32x128xf32, #tpu.memory_space<hbm>>
      tpu.wait_dma2 semaphore(%arg8 : memref<!tpu.dma_semaphore, #tpu.memory_space<semaphore_mem>>) src(%dma_wait3A_311 : memref<32x128xf32, #tpu.memory_space<hbm>>) dst(%dma_wait3A_309 : memref<32x128xf32, #tpu.memory_space<vmem>>)
      %dma_wait3A_312 = arith.constant 0 : i32
      %dma_wait3A_313 = arith.constant 384 : i32
      %dma_wait3A_314 = tpu.memref_slice %arg6[%dma_wait3A_312, %dma_wait3A_313] : memref<32x2048xf32, #tpu.memory_space<vmem>> -> memref<32x128xf32, #tpu.memory_space<vmem>>
      %dma_wait3A_315 = arith.constant 0 : i32
      %dma_wait3A_316 = tpu.memref_slice %arg2[%dma_wait3A_315, %multiple_of3A_68] : memref<32x1000001xf32, #tpu.memory_space<hbm>> -> memref<32x128xf32, #tpu.memory_space<hbm>>
      %dma_wait3A_317 = arith.constant 0 : i32
      %dma_wait3A_318 = arith.constant 384 : i32
      %dma_wait3A_319 = tpu.memref_slice %arg6[%dma_wait3A_317, %dma_wait3A_318] : memref<32x2048xf32, #tpu.memory_space<vmem>> -> memref<32x128xf32, #tpu.memory_space<vmem>>
      %dma_wait3A_320 = arith.constant 0 : i32
      %dma_wait3A_321 = tpu.memref_slice %arg2[%dma_wait3A_320, %multiple_of3A_68] : memref<32x1000001xf32, #tpu.memory_space<hbm>> -> memref<32x128xf32, #tpu.memory_space<hbm>>
      tpu.wait_dma2 semaphore(%arg8 : memref<!tpu.dma_semaphore, #tpu.memory_space<semaphore_mem>>) src(%dma_wait3A_321 : memref<32x128xf32, #tpu.memory_space<hbm>>) dst(%dma_wait3A_319 : memref<32x128xf32, #tpu.memory_space<vmem>>)
      %dma_wait3A_322 = arith.constant 0 : i32
      %dma_wait3A_323 = arith.constant 512 : i32
      %dma_wait3A_324 = tpu.memref_slice %arg6[%dma_wait3A_322, %dma_wait3A_323] : memref<32x2048xf32, #tpu.memory_space<vmem>> -> memref<32x128xf32, #tpu.memory_space<vmem>>
      %dma_wait3A_325 = arith.constant 0 : i32
      %dma_wait3A_326 = tpu.memref_slice %arg2[%dma_wait3A_325, %multiple_of3A_85] : memref<32x1000001xf32, #tpu.memory_space<hbm>> -> memref<32x128xf32, #tpu.memory_space<hbm>>
      %dma_wait3A_327 = arith.constant 0 : i32
      %dma_wait3A_328 = arith.constant 512 : i32
      %dma_wait3A_329 = tpu.memref_slice %arg6[%dma_wait3A_327, %dma_wait3A_328] : memref<32x2048xf32, #tpu.memory_space<vmem>> -> memref<32x128xf32, #tpu.memory_space<vmem>>
      %dma_wait3A_330 = arith.constant 0 : i32
      %dma_wait3A_331 = tpu.memref_slice %arg2[%dma_wait3A_330, %multiple_of3A_85] : memref<32x1000001xf32, #tpu.memory_space<hbm>> -> memref<32x128xf32, #tpu.memory_space<hbm>>
      tpu.wait_dma2 semaphore(%arg8 : memref<!tpu.dma_semaphore, #tpu.memory_space<semaphore_mem>>) src(%dma_wait3A_331 : memref<32x128xf32, #tpu.memory_space<hbm>>) dst(%dma_wait3A_329 : memref<32x128xf32, #tpu.memory_space<vmem>>)
      %dma_wait3A_332 = arith.constant 0 : i32
      %dma_wait3A_333 = arith.constant 640 : i32
      %dma_wait3A_334 = tpu.memref_slice %arg6[%dma_wait3A_332, %dma_wait3A_333] : memref<32x2048xf32, #tpu.memory_space<vmem>> -> memref<32x128xf32, #tpu.memory_space<vmem>>
      %dma_wait3A_335 = arith.constant 0 : i32
      %dma_wait3A_336 = tpu.memref_slice %arg2[%dma_wait3A_335, %multiple_of3A_102] : memref<32x1000001xf32, #tpu.memory_space<hbm>> -> memref<32x128xf32, #tpu.memory_space<hbm>>
      %dma_wait3A_337 = arith.constant 0 : i32
      %dma_wait3A_338 = arith.constant 640 : i32
      %dma_wait3A_339 = tpu.memref_slice %arg6[%dma_wait3A_337, %dma_wait3A_338] : memref<32x2048xf32, #tpu.memory_space<vmem>> -> memref<32x128xf32, #tpu.memory_space<vmem>>
      %dma_wait3A_340 = arith.constant 0 : i32
      %dma_wait3A_341 = tpu.memref_slice %arg2[%dma_wait3A_340, %multiple_of3A_102] : memref<32x1000001xf32, #tpu.memory_space<hbm>> -> memref<32x128xf32, #tpu.memory_space<hbm>>
      tpu.wait_dma2 semaphore(%arg8 : memref<!tpu.dma_semaphore, #tpu.memory_space<semaphore_mem>>) src(%dma_wait3A_341 : memref<32x128xf32, #tpu.memory_space<hbm>>) dst(%dma_wait3A_339 : memref<32x128xf32, #tpu.memory_space<vmem>>)
      %dma_wait3A_342 = arith.constant 0 : i32
      %dma_wait3A_343 = arith.constant 768 : i32
      %dma_wait3A_344 = tpu.memref_slice %arg6[%dma_wait3A_342, %dma_wait3A_343] : memref<32x2048xf32, #tpu.memory_space<vmem>> -> memref<32x128xf32, #tpu.memory_space<vmem>>
      %dma_wait3A_345 = arith.constant 0 : i32
      %dma_wait3A_346 = tpu.memref_slice %arg2[%dma_wait3A_345, %multiple_of3A_119] : memref<32x1000001xf32, #tpu.memory_space<hbm>> -> memref<32x128xf32, #tpu.memory_space<hbm>>
      %dma_wait3A_347 = arith.constant 0 : i32
      %dma_wait3A_348 = arith.constant 768 : i32
      %dma_wait3A_349 = tpu.memref_slice %arg6[%dma_wait3A_347, %dma_wait3A_348] : memref<32x2048xf32, #tpu.memory_space<vmem>> -> memref<32x128xf32, #tpu.memory_space<vmem>>
      %dma_wait3A_350 = arith.constant 0 : i32
      %dma_wait3A_351 = tpu.memref_slice %arg2[%dma_wait3A_350, %multiple_of3A_119] : memref<32x1000001xf32, #tpu.memory_space<hbm>> -> memref<32x128xf32, #tpu.memory_space<hbm>>
      tpu.wait_dma2 semaphore(%arg8 : memref<!tpu.dma_semaphore, #tpu.memory_space<semaphore_mem>>) src(%dma_wait3A_351 : memref<32x128xf32, #tpu.memory_space<hbm>>) dst(%dma_wait3A_349 : memref<32x128xf32, #tpu.memory_space<vmem>>)
      %dma_wait3A_352 = arith.constant 0 : i32
      %dma_wait3A_353 = arith.constant 896 : i32
      %dma_wait3A_354 = tpu.memref_slice %arg6[%dma_wait3A_352, %dma_wait3A_353] : memref<32x2048xf32, #tpu.memory_space<vmem>> -> memref<32x128xf32, #tpu.memory_space<vmem>>
      %dma_wait3A_355 = arith.constant 0 : i32
      %dma_wait3A_356 = tpu.memref_slice %arg2[%dma_wait3A_355, %multiple_of3A_136] : memref<32x1000001xf32, #tpu.memory_space<hbm>> -> memref<32x128xf32, #tpu.memory_space<hbm>>
      %dma_wait3A_357 = arith.constant 0 : i32
      %dma_wait3A_358 = arith.constant 896 : i32
      %dma_wait3A_359 = tpu.memref_slice %arg6[%dma_wait3A_357, %dma_wait3A_358] : memref<32x2048xf32, #tpu.memory_space<vmem>> -> memref<32x128xf32, #tpu.memory_space<vmem>>
      %dma_wait3A_360 = arith.constant 0 : i32
      %dma_wait3A_361 = tpu.memref_slice %arg2[%dma_wait3A_360, %multiple_of3A_136] : memref<32x1000001xf32, #tpu.memory_space<hbm>> -> memref<32x128xf32, #tpu.memory_space<hbm>>
      tpu.wait_dma2 semaphore(%arg8 : memref<!tpu.dma_semaphore, #tpu.memory_space<semaphore_mem>>) src(%dma_wait3A_361 : memref<32x128xf32, #tpu.memory_space<hbm>>) dst(%dma_wait3A_359 : memref<32x128xf32, #tpu.memory_space<vmem>>)
      %dma_wait3A_362 = arith.constant 0 : i32
      %dma_wait3A_363 = arith.constant 1024 : i32
      %dma_wait3A_364 = tpu.memref_slice %arg6[%dma_wait3A_362, %dma_wait3A_363] : memref<32x2048xf32, #tpu.memory_space<vmem>> -> memref<32x128xf32, #tpu.memory_space<vmem>>
      %dma_wait3A_365 = arith.constant 0 : i32
      %dma_wait3A_366 = tpu.memref_slice %arg2[%dma_wait3A_365, %multiple_of3A_153] : memref<32x1000001xf32, #tpu.memory_space<hbm>> -> memref<32x128xf32, #tpu.memory_space<hbm>>
      %dma_wait3A_367 = arith.constant 0 : i32
      %dma_wait3A_368 = arith.constant 1024 : i32
      %dma_wait3A_369 = tpu.memref_slice %arg6[%dma_wait3A_367, %dma_wait3A_368] : memref<32x2048xf32, #tpu.memory_space<vmem>> -> memref<32x128xf32, #tpu.memory_space<vmem>>
      %dma_wait3A_370 = arith.constant 0 : i32
      %dma_wait3A_371 = tpu.memref_slice %arg2[%dma_wait3A_370, %multiple_of3A_153] : memref<32x1000001xf32, #tpu.memory_space<hbm>> -> memref<32x128xf32, #tpu.memory_space<hbm>>
      tpu.wait_dma2 semaphore(%arg8 : memref<!tpu.dma_semaphore, #tpu.memory_space<semaphore_mem>>) src(%dma_wait3A_371 : memref<32x128xf32, #tpu.memory_space<hbm>>) dst(%dma_wait3A_369 : memref<32x128xf32, #tpu.memory_space<vmem>>)
      %dma_wait3A_372 = arith.constant 0 : i32
      %dma_wait3A_373 = arith.constant 1152 : i32
      %dma_wait3A_374 = tpu.memref_slice %arg6[%dma_wait3A_372, %dma_wait3A_373] : memref<32x2048xf32, #tpu.memory_space<vmem>> -> memref<32x128xf32, #tpu.memory_space<vmem>>
      %dma_wait3A_375 = arith.constant 0 : i32
      %dma_wait3A_376 = tpu.memref_slice %arg2[%dma_wait3A_375, %multiple_of3A_170] : memref<32x1000001xf32, #tpu.memory_space<hbm>> -> memref<32x128xf32, #tpu.memory_space<hbm>>
      %dma_wait3A_377 = arith.constant 0 : i32
      %dma_wait3A_378 = arith.constant 1152 : i32
      %dma_wait3A_379 = tpu.memref_slice %arg6[%dma_wait3A_377, %dma_wait3A_378] : memref<32x2048xf32, #tpu.memory_space<vmem>> -> memref<32x128xf32, #tpu.memory_space<vmem>>
      %dma_wait3A_380 = arith.constant 0 : i32
      %dma_wait3A_381 = tpu.memref_slice %arg2[%dma_wait3A_380, %multiple_of3A_170] : memref<32x1000001xf32, #tpu.memory_space<hbm>> -> memref<32x128xf32, #tpu.memory_space<hbm>>
      tpu.wait_dma2 semaphore(%arg8 : memref<!tpu.dma_semaphore, #tpu.memory_space<semaphore_mem>>) src(%dma_wait3A_381 : memref<32x128xf32, #tpu.memory_space<hbm>>) dst(%dma_wait3A_379 : memref<32x128xf32, #tpu.memory_space<vmem>>)
      %dma_wait3A_382 = arith.constant 0 : i32
      %dma_wait3A_383 = arith.constant 1280 : i32
      %dma_wait3A_384 = tpu.memref_slice %arg6[%dma_wait3A_382, %dma_wait3A_383] : memref<32x2048xf32, #tpu.memory_space<vmem>> -> memref<32x128xf32, #tpu.memory_space<vmem>>
      %dma_wait3A_385 = arith.constant 0 : i32
      %dma_wait3A_386 = tpu.memref_slice %arg2[%dma_wait3A_385, %multiple_of3A_187] : memref<32x1000001xf32, #tpu.memory_space<hbm>> -> memref<32x128xf32, #tpu.memory_space<hbm>>
      %dma_wait3A_387 = arith.constant 0 : i32
      %dma_wait3A_388 = arith.constant 1280 : i32
      %dma_wait3A_389 = tpu.memref_slice %arg6[%dma_wait3A_387, %dma_wait3A_388] : memref<32x2048xf32, #tpu.memory_space<vmem>> -> memref<32x128xf32, #tpu.memory_space<vmem>>
      %dma_wait3A_390 = arith.constant 0 : i32
      %dma_wait3A_391 = tpu.memref_slice %arg2[%dma_wait3A_390, %multiple_of3A_187] : memref<32x1000001xf32, #tpu.memory_space<hbm>> -> memref<32x128xf32, #tpu.memory_space<hbm>>
      tpu.wait_dma2 semaphore(%arg8 : memref<!tpu.dma_semaphore, #tpu.memory_space<semaphore_mem>>) src(%dma_wait3A_391 : memref<32x128xf32, #tpu.memory_space<hbm>>) dst(%dma_wait3A_389 : memref<32x128xf32, #tpu.memory_space<vmem>>)
      %dma_wait3A_392 = arith.constant 0 : i32
      %dma_wait3A_393 = arith.constant 1408 : i32
      %dma_wait3A_394 = tpu.memref_slice %arg6[%dma_wait3A_392, %dma_wait3A_393] : memref<32x2048xf32, #tpu.memory_space<vmem>> -> memref<32x128xf32, #tpu.memory_space<vmem>>
      %dma_wait3A_395 = arith.constant 0 : i32
      %dma_wait3A_396 = tpu.memref_slice %arg2[%dma_wait3A_395, %multiple_of3A_204] : memref<32x1000001xf32, #tpu.memory_space<hbm>> -> memref<32x128xf32, #tpu.memory_space<hbm>>
      %dma_wait3A_397 = arith.constant 0 : i32
      %dma_wait3A_398 = arith.constant 1408 : i32
      %dma_wait3A_399 = tpu.memref_slice %arg6[%dma_wait3A_397, %dma_wait3A_398] : memref<32x2048xf32, #tpu.memory_space<vmem>> -> memref<32x128xf32, #tpu.memory_space<vmem>>
      %dma_wait3A_400 = arith.constant 0 : i32
      %dma_wait3A_401 = tpu.memref_slice %arg2[%dma_wait3A_400, %multiple_of3A_204] : memref<32x1000001xf32, #tpu.memory_space<hbm>> -> memref<32x128xf32, #tpu.memory_space<hbm>>
      tpu.wait_dma2 semaphore(%arg8 : memref<!tpu.dma_semaphore, #tpu.memory_space<semaphore_mem>>) src(%dma_wait3A_401 : memref<32x128xf32, #tpu.memory_space<hbm>>) dst(%dma_wait3A_399 : memref<32x128xf32, #tpu.memory_space<vmem>>)
      %dma_wait3A_402 = arith.constant 0 : i32
      %dma_wait3A_403 = arith.constant 1536 : i32
      %dma_wait3A_404 = tpu.memref_slice %arg6[%dma_wait3A_402, %dma_wait3A_403] : memref<32x2048xf32, #tpu.memory_space<vmem>> -> memref<32x128xf32, #tpu.memory_space<vmem>>
      %dma_wait3A_405 = arith.constant 0 : i32
      %dma_wait3A_406 = tpu.memref_slice %arg2[%dma_wait3A_405, %multiple_of3A_221] : memref<32x1000001xf32, #tpu.memory_space<hbm>> -> memref<32x128xf32, #tpu.memory_space<hbm>>
      %dma_wait3A_407 = arith.constant 0 : i32
      %dma_wait3A_408 = arith.constant 1536 : i32
      %dma_wait3A_409 = tpu.memref_slice %arg6[%dma_wait3A_407, %dma_wait3A_408] : memref<32x2048xf32, #tpu.memory_space<vmem>> -> memref<32x128xf32, #tpu.memory_space<vmem>>
      %dma_wait3A_410 = arith.constant 0 : i32
      %dma_wait3A_411 = tpu.memref_slice %arg2[%dma_wait3A_410, %multiple_of3A_221] : memref<32x1000001xf32, #tpu.memory_space<hbm>> -> memref<32x128xf32, #tpu.memory_space<hbm>>
      tpu.wait_dma2 semaphore(%arg8 : memref<!tpu.dma_semaphore, #tpu.memory_space<semaphore_mem>>) src(%dma_wait3A_411 : memref<32x128xf32, #tpu.memory_space<hbm>>) dst(%dma_wait3A_409 : memref<32x128xf32, #tpu.memory_space<vmem>>)
      %dma_wait3A_412 = arith.constant 0 : i32
      %dma_wait3A_413 = arith.constant 1664 : i32
      %dma_wait3A_414 = tpu.memref_slice %arg6[%dma_wait3A_412, %dma_wait3A_413] : memref<32x2048xf32, #tpu.memory_space<vmem>> -> memref<32x128xf32, #tpu.memory_space<vmem>>
      %dma_wait3A_415 = arith.constant 0 : i32
      %dma_wait3A_416 = tpu.memref_slice %arg2[%dma_wait3A_415, %multiple_of3A_238] : memref<32x1000001xf32, #tpu.memory_space<hbm>> -> memref<32x128xf32, #tpu.memory_space<hbm>>
      %dma_wait3A_417 = arith.constant 0 : i32
      %dma_wait3A_418 = arith.constant 1664 : i32
      %dma_wait3A_419 = tpu.memref_slice %arg6[%dma_wait3A_417, %dma_wait3A_418] : memref<32x2048xf32, #tpu.memory_space<vmem>> -> memref<32x128xf32, #tpu.memory_space<vmem>>
      %dma_wait3A_420 = arith.constant 0 : i32
      %dma_wait3A_421 = tpu.memref_slice %arg2[%dma_wait3A_420, %multiple_of3A_238] : memref<32x1000001xf32, #tpu.memory_space<hbm>> -> memref<32x128xf32, #tpu.memory_space<hbm>>
      tpu.wait_dma2 semaphore(%arg8 : memref<!tpu.dma_semaphore, #tpu.memory_space<semaphore_mem>>) src(%dma_wait3A_421 : memref<32x128xf32, #tpu.memory_space<hbm>>) dst(%dma_wait3A_419 : memref<32x128xf32, #tpu.memory_space<vmem>>)
      %dma_wait3A_422 = arith.constant 0 : i32
      %dma_wait3A_423 = arith.constant 1792 : i32
      %dma_wait3A_424 = tpu.memref_slice %arg6[%dma_wait3A_422, %dma_wait3A_423] : memref<32x2048xf32, #tpu.memory_space<vmem>> -> memref<32x128xf32, #tpu.memory_space<vmem>>
      %dma_wait3A_425 = arith.constant 0 : i32
      %dma_wait3A_426 = tpu.memref_slice %arg2[%dma_wait3A_425, %multiple_of3A_255] : memref<32x1000001xf32, #tpu.memory_space<hbm>> -> memref<32x128xf32, #tpu.memory_space<hbm>>
      %dma_wait3A_427 = arith.constant 0 : i32
      %dma_wait3A_428 = arith.constant 1792 : i32
      %dma_wait3A_429 = tpu.memref_slice %arg6[%dma_wait3A_427, %dma_wait3A_428] : memref<32x2048xf32, #tpu.memory_space<vmem>> -> memref<32x128xf32, #tpu.memory_space<vmem>>
      %dma_wait3A_430 = arith.constant 0 : i32
      %dma_wait3A_431 = tpu.memref_slice %arg2[%dma_wait3A_430, %multiple_of3A_255] : memref<32x1000001xf32, #tpu.memory_space<hbm>> -> memref<32x128xf32, #tpu.memory_space<hbm>>
      tpu.wait_dma2 semaphore(%arg8 : memref<!tpu.dma_semaphore, #tpu.memory_space<semaphore_mem>>) src(%dma_wait3A_431 : memref<32x128xf32, #tpu.memory_space<hbm>>) dst(%dma_wait3A_429 : memref<32x128xf32, #tpu.memory_space<vmem>>)
      %dma_wait3A_432 = arith.constant 0 : i32
      %dma_wait3A_433 = arith.constant 1920 : i32
      %dma_wait3A_434 = tpu.memref_slice %arg6[%dma_wait3A_432, %dma_wait3A_433] : memref<32x2048xf32, #tpu.memory_space<vmem>> -> memref<32x128xf32, #tpu.memory_space<vmem>>
      %dma_wait3A_435 = arith.constant 0 : i32
      %dma_wait3A_436 = tpu.memref_slice %arg2[%dma_wait3A_435, %multiple_of3A_272] : memref<32x1000001xf32, #tpu.memory_space<hbm>> -> memref<32x128xf32, #tpu.memory_space<hbm>>
      %dma_wait3A_437 = arith.constant 0 : i32
      %dma_wait3A_438 = arith.constant 1920 : i32
      %dma_wait3A_439 = tpu.memref_slice %arg6[%dma_wait3A_437, %dma_wait3A_438] : memref<32x2048xf32, #tpu.memory_space<vmem>> -> memref<32x128xf32, #tpu.memory_space<vmem>>
      %dma_wait3A_440 = arith.constant 0 : i32
      %dma_wait3A_441 = tpu.memref_slice %arg2[%dma_wait3A_440, %multiple_of3A_272] : memref<32x1000001xf32, #tpu.memory_space<hbm>> -> memref<32x128xf32, #tpu.memory_space<hbm>>
      tpu.wait_dma2 semaphore(%arg8 : memref<!tpu.dma_semaphore, #tpu.memory_space<semaphore_mem>>) src(%dma_wait3A_441 : memref<32x128xf32, #tpu.memory_space<hbm>>) dst(%dma_wait3A_439 : memref<32x128xf32, #tpu.memory_space<vmem>>)
      %mul3A_442 = arith.constant 128 : i32
      %mul3A_443 = vector.broadcast %mul3A_442 : i32 to vector<16xi32>
      %mul3A_444 = arith.muli %iota3A, %mul3A_443 : vector<16xi32>
      %and3A = arith.constant 127 : i32
      %and3A_445 = vector.broadcast %and3A : i32 to vector<16xi32>
      %and3A_446 = arith.andi %get3A_15, %and3A_445 : vector<16xi32>
      %add3A_447 = arith.addi %mul3A_444, %and3A_446 : vector<16xi32>
      %mul3A_448 = arith.constant 0 : i32
      %mul3A_449 = vector.broadcast %mul3A_448 : i32 to vector<16xi32>
      %mul3A_450 = arith.muli %iota3A, %mul3A_449 : vector<16xi32>
      %add3A_451 = arith.constant 0 : i32
      %add3A_452 = vector.broadcast %add3A_451 : i32 to vector<16xi32>
      %add3A_453 = arith.addi %mul3A_450, %add3A_452 : vector<16xi32>
      %gather3A = tpu.vector_load_idx %arg6[%add3A_453, %add3A_447] : memref<32x2048xf32, #tpu.memory_space<vmem>>[vector<16xi32>, vector<16xi32>], vector<16xf32>,
      %mul3A_454 = arith.constant 16 : i32
      %mul3A_455 = arith.muli %add3A_11, %mul3A_454 : i32
      %swap3A = arith.constant 0 : i32
      %swap3A_456 = arith.index_cast %swap3A : i32 to index
      %swap3A_457 = arith.index_cast %mul3A_455 : i32 to index
      %swap3A_458 = tpu.vector_load %arg7[%swap3A_456, %swap3A_457] {strides = array<i32>} : memref<32x512xf32, #tpu.memory_space<vmem>>, vector<16xf32>,
      tpu.vector_store %arg7[%swap3A_456, %swap3A_457], %gather3A {strides = array<i32>} : memref<32x512xf32, #tpu.memory_space<vmem>>, vector<16xf32>,
      %add3A_459 = arith.constant 1 : i32
      %add3A_460 = vector.broadcast %add3A_459 : i32 to vector<16xi32>
      %add3A_461 = arith.addi %mul3A_450, %add3A_460 : vector<16xi32>
      %gather3A_462 = tpu.vector_load_idx %arg6[%add3A_461, %add3A_447] : memref<32x2048xf32, #tpu.memory_space<vmem>>[vector<16xi32>, vector<16xi32>], vector<16xf32>,
      %mul3A_463 = arith.constant 16 : i32
      %mul3A_464 = arith.muli %add3A_11, %mul3A_463 : i32
      %swap3A_465 = arith.constant 1 : i32
      %swap3A_466 = arith.index_cast %swap3A_465 : i32 to index
      %swap3A_467 = arith.index_cast %mul3A_464 : i32 to index
      %swap3A_468 = tpu.vector_load %arg7[%swap3A_466, %swap3A_467] {strides = array<i32>} : memref<32x512xf32, #tpu.memory_space<vmem>>, vector<16xf32>,
      tpu.vector_store %arg7[%swap3A_466, %swap3A_467], %gather3A_462 {strides = array<i32>} : memref<32x512xf32, #tpu.memory_space<vmem>>, vector<16xf32>,
      %add3A_469 = arith.constant 2 : i32
      %add3A_470 = vector.broadcast %add3A_469 : i32 to vector<16xi32>
      %add3A_471 = arith.addi %mul3A_450, %add3A_470 : vector<16xi32>
      %gather3A_472 = tpu.vector_load_idx %arg6[%add3A_471, %add3A_447] : memref<32x2048xf32, #tpu.memory_space<vmem>>[vector<16xi32>, vector<16xi32>], vector<16xf32>,
      %mul3A_473 = arith.constant 16 : i32
      %mul3A_474 = arith.muli %add3A_11, %mul3A_473 : i32
      %swap3A_475 = arith.constant 2 : i32
      %swap3A_476 = arith.index_cast %swap3A_475 : i32 to index
      %swap3A_477 = arith.index_cast %mul3A_474 : i32 to index
      %swap3A_478 = tpu.vector_load %arg7[%swap3A_476, %swap3A_477] {strides = array<i32>} : memref<32x512xf32, #tpu.memory_space<vmem>>, vector<16xf32>,
      tpu.vector_store %arg7[%swap3A_476, %swap3A_477], %gather3A_472 {strides = array<i32>} : memref<32x512xf32, #tpu.memory_space<vmem>>, vector<16xf32>,
      %add3A_479 = arith.constant 3 : i32
      %add3A_480 = vector.broadcast %add3A_479 : i32 to vector<16xi32>
      %add3A_481 = arith.addi %mul3A_450, %add3A_480 : vector<16xi32>
      %gather3A_482 = tpu.vector_load_idx %arg6[%add3A_481, %add3A_447] : memref<32x2048xf32, #tpu.memory_space<vmem>>[vector<16xi32>, vector<16xi32>], vector<16xf32>,
      %mul3A_483 = arith.constant 16 : i32
      %mul3A_484 = arith.muli %add3A_11, %mul3A_483 : i32
      %swap3A_485 = arith.constant 3 : i32
      %swap3A_486 = arith.index_cast %swap3A_485 : i32 to index
      %swap3A_487 = arith.index_cast %mul3A_484 : i32 to index
      %swap3A_488 = tpu.vector_load %arg7[%swap3A_486, %swap3A_487] {strides = array<i32>} : memref<32x512xf32, #tpu.memory_space<vmem>>, vector<16xf32>,
      tpu.vector_store %arg7[%swap3A_486, %swap3A_487], %gather3A_482 {strides = array<i32>} : memref<32x512xf32, #tpu.memory_space<vmem>>, vector<16xf32>,
      %add3A_489 = arith.constant 4 : i32
      %add3A_490 = vector.broadcast %add3A_489 : i32 to vector<16xi32>
      %add3A_491 = arith.addi %mul3A_450, %add3A_490 : vector<16xi32>
      %gather3A_492 = tpu.vector_load_idx %arg6[%add3A_491, %add3A_447] : memref<32x2048xf32, #tpu.memory_space<vmem>>[vector<16xi32>, vector<16xi32>], vector<16xf32>,
      %mul3A_493 = arith.constant 16 : i32
      %mul3A_494 = arith.muli %add3A_11, %mul3A_493 : i32
      %swap3A_495 = arith.constant 4 : i32
      %swap3A_496 = arith.index_cast %swap3A_495 : i32 to index
      %swap3A_497 = arith.index_cast %mul3A_494 : i32 to index
      %swap3A_498 = tpu.vector_load %arg7[%swap3A_496, %swap3A_497] {strides = array<i32>} : memref<32x512xf32, #tpu.memory_space<vmem>>, vector<16xf32>,
      tpu.vector_store %arg7[%swap3A_496, %swap3A_497], %gather3A_492 {strides = array<i32>} : memref<32x512xf32, #tpu.memory_space<vmem>>, vector<16xf32>,
      %add3A_499 = arith.constant 5 : i32
      %add3A_500 = vector.broadcast %add3A_499 : i32 to vector<16xi32>
      %add3A_501 = arith.addi %mul3A_450, %add3A_500 : vector<16xi32>
      %gather3A_502 = tpu.vector_load_idx %arg6[%add3A_501, %add3A_447] : memref<32x2048xf32, #tpu.memory_space<vmem>>[vector<16xi32>, vector<16xi32>], vector<16xf32>,
      %mul3A_503 = arith.constant 16 : i32
      %mul3A_504 = arith.muli %add3A_11, %mul3A_503 : i32
      %swap3A_505 = arith.constant 5 : i32
      %swap3A_506 = arith.index_cast %swap3A_505 : i32 to index
      %swap3A_507 = arith.index_cast %mul3A_504 : i32 to index
      %swap3A_508 = tpu.vector_load %arg7[%swap3A_506, %swap3A_507] {strides = array<i32>} : memref<32x512xf32, #tpu.memory_space<vmem>>, vector<16xf32>,
      tpu.vector_store %arg7[%swap3A_506, %swap3A_507], %gather3A_502 {strides = array<i32>} : memref<32x512xf32, #tpu.memory_space<vmem>>, vector<16xf32>,
      %add3A_509 = arith.constant 6 : i32
      %add3A_510 = vector.broadcast %add3A_509 : i32 to vector<16xi32>
      %add3A_511 = arith.addi %mul3A_450, %add3A_510 : vector<16xi32>
      %gather3A_512 = tpu.vector_load_idx %arg6[%add3A_511, %add3A_447] : memref<32x2048xf32, #tpu.memory_space<vmem>>[vector<16xi32>, vector<16xi32>], vector<16xf32>,
      %mul3A_513 = arith.constant 16 : i32
      %mul3A_514 = arith.muli %add3A_11, %mul3A_513 : i32
      %swap3A_515 = arith.constant 6 : i32
      %swap3A_516 = arith.index_cast %swap3A_515 : i32 to index
      %swap3A_517 = arith.index_cast %mul3A_514 : i32 to index
      %swap3A_518 = tpu.vector_load %arg7[%swap3A_516, %swap3A_517] {strides = array<i32>} : memref<32x512xf32, #tpu.memory_space<vmem>>, vector<16xf32>,
      tpu.vector_store %arg7[%swap3A_516, %swap3A_517], %gather3A_512 {strides = array<i32>} : memref<32x512xf32, #tpu.memory_space<vmem>>, vector<16xf32>,
      %add3A_519 = arith.constant 7 : i32
      %add3A_520 = vector.broadcast %add3A_519 : i32 to vector<16xi32>
      %add3A_521 = arith.addi %mul3A_450, %add3A_520 : vector<16xi32>
      %gather3A_522 = tpu.vector_load_idx %arg6[%add3A_521, %add3A_447] : memref<32x2048xf32, #tpu.memory_space<vmem>>[vector<16xi32>, vector<16xi32>], vector<16xf32>,
      %mul3A_523 = arith.constant 16 : i32
      %mul3A_524 = arith.muli %add3A_11, %mul3A_523 : i32
      %swap3A_525 = arith.constant 7 : i32
      %swap3A_526 = arith.index_cast %swap3A_525 : i32 to index
      %swap3A_527 = arith.index_cast %mul3A_524 : i32 to index
      %swap3A_528 = tpu.vector_load %arg7[%swap3A_526, %swap3A_527] {strides = array<i32>} : memref<32x512xf32, #tpu.memory_space<vmem>>, vector<16xf32>,
      tpu.vector_store %arg7[%swap3A_526, %swap3A_527], %gather3A_522 {strides = array<i32>} : memref<32x512xf32, #tpu.memory_space<vmem>>, vector<16xf32>,
      %add3A_529 = arith.constant 8 : i32
      %add3A_530 = vector.broadcast %add3A_529 : i32 to vector<16xi32>
      %add3A_531 = arith.addi %mul3A_450, %add3A_530 : vector<16xi32>
      %gather3A_532 = tpu.vector_load_idx %arg6[%add3A_531, %add3A_447] : memref<32x2048xf32, #tpu.memory_space<vmem>>[vector<16xi32>, vector<16xi32>], vector<16xf32>,
      %mul3A_533 = arith.constant 16 : i32
      %mul3A_534 = arith.muli %add3A_11, %mul3A_533 : i32
      %swap3A_535 = arith.constant 8 : i32
      %swap3A_536 = arith.index_cast %swap3A_535 : i32 to index
      %swap3A_537 = arith.index_cast %mul3A_534 : i32 to index
      %swap3A_538 = tpu.vector_load %arg7[%swap3A_536, %swap3A_537] {strides = array<i32>} : memref<32x512xf32, #tpu.memory_space<vmem>>, vector<16xf32>,
      tpu.vector_store %arg7[%swap3A_536, %swap3A_537], %gather3A_532 {strides = array<i32>} : memref<32x512xf32, #tpu.memory_space<vmem>>, vector<16xf32>,
      %add3A_539 = arith.constant 9 : i32
      %add3A_540 = vector.broadcast %add3A_539 : i32 to vector<16xi32>
      %add3A_541 = arith.addi %mul3A_450, %add3A_540 : vector<16xi32>
      %gather3A_542 = tpu.vector_load_idx %arg6[%add3A_541, %add3A_447] : memref<32x2048xf32, #tpu.memory_space<vmem>>[vector<16xi32>, vector<16xi32>], vector<16xf32>,
      %mul3A_543 = arith.constant 16 : i32
      %mul3A_544 = arith.muli %add3A_11, %mul3A_543 : i32
      %swap3A_545 = arith.constant 9 : i32
      %swap3A_546 = arith.index_cast %swap3A_545 : i32 to index
      %swap3A_547 = arith.index_cast %mul3A_544 : i32 to index
      %swap3A_548 = tpu.vector_load %arg7[%swap3A_546, %swap3A_547] {strides = array<i32>} : memref<32x512xf32, #tpu.memory_space<vmem>>, vector<16xf32>,
      tpu.vector_store %arg7[%swap3A_546, %swap3A_547], %gather3A_542 {strides = array<i32>} : memref<32x512xf32, #tpu.memory_space<vmem>>, vector<16xf32>,
      %add3A_549 = arith.constant 10 : i32
      %add3A_550 = vector.broadcast %add3A_549 : i32 to vector<16xi32>
      %add3A_551 = arith.addi %mul3A_450, %add3A_550 : vector<16xi32>
      %gather3A_552 = tpu.vector_load_idx %arg6[%add3A_551, %add3A_447] : memref<32x2048xf32, #tpu.memory_space<vmem>>[vector<16xi32>, vector<16xi32>], vector<16xf32>,
      %mul3A_553 = arith.constant 16 : i32
      %mul3A_554 = arith.muli %add3A_11, %mul3A_553 : i32
      %swap3A_555 = arith.constant 10 : i32
      %swap3A_556 = arith.index_cast %swap3A_555 : i32 to index
      %swap3A_557 = arith.index_cast %mul3A_554 : i32 to index
      %swap3A_558 = tpu.vector_load %arg7[%swap3A_556, %swap3A_557] {strides = array<i32>} : memref<32x512xf32, #tpu.memory_space<vmem>>, vector<16xf32>,
      tpu.vector_store %arg7[%swap3A_556, %swap3A_557], %gather3A_552 {strides = array<i32>} : memref<32x512xf32, #tpu.memory_space<vmem>>, vector<16xf32>,
      %add3A_559 = arith.constant 11 : i32
      %add3A_560 = vector.broadcast %add3A_559 : i32 to vector<16xi32>
      %add3A_561 = arith.addi %mul3A_450, %add3A_560 : vector<16xi32>
      %gather3A_562 = tpu.vector_load_idx %arg6[%add3A_561, %add3A_447] : memref<32x2048xf32, #tpu.memory_space<vmem>>[vector<16xi32>, vector<16xi32>], vector<16xf32>,
      %mul3A_563 = arith.constant 16 : i32
      %mul3A_564 = arith.muli %add3A_11, %mul3A_563 : i32
      %swap3A_565 = arith.constant 11 : i32
      %swap3A_566 = arith.index_cast %swap3A_565 : i32 to index
      %swap3A_567 = arith.index_cast %mul3A_564 : i32 to index
      %swap3A_568 = tpu.vector_load %arg7[%swap3A_566, %swap3A_567] {strides = array<i32>} : memref<32x512xf32, #tpu.memory_space<vmem>>, vector<16xf32>,
      tpu.vector_store %arg7[%swap3A_566, %swap3A_567], %gather3A_562 {strides = array<i32>} : memref<32x512xf32, #tpu.memory_space<vmem>>, vector<16xf32>,
      %add3A_569 = arith.constant 12 : i32
      %add3A_570 = vector.broadcast %add3A_569 : i32 to vector<16xi32>
      %add3A_571 = arith.addi %mul3A_450, %add3A_570 : vector<16xi32>
      %gather3A_572 = tpu.vector_load_idx %arg6[%add3A_571, %add3A_447] : memref<32x2048xf32, #tpu.memory_space<vmem>>[vector<16xi32>, vector<16xi32>], vector<16xf32>,
      %mul3A_573 = arith.constant 16 : i32
      %mul3A_574 = arith.muli %add3A_11, %mul3A_573 : i32
      %swap3A_575 = arith.constant 12 : i32
      %swap3A_576 = arith.index_cast %swap3A_575 : i32 to index
      %swap3A_577 = arith.index_cast %mul3A_574 : i32 to index
      %swap3A_578 = tpu.vector_load %arg7[%swap3A_576, %swap3A_577] {strides = array<i32>} : memref<32x512xf32, #tpu.memory_space<vmem>>, vector<16xf32>,
      tpu.vector_store %arg7[%swap3A_576, %swap3A_577], %gather3A_572 {strides = array<i32>} : memref<32x512xf32, #tpu.memory_space<vmem>>, vector<16xf32>,
      %add3A_579 = arith.constant 13 : i32
      %add3A_580 = vector.broadcast %add3A_579 : i32 to vector<16xi32>
      %add3A_581 = arith.addi %mul3A_450, %add3A_580 : vector<16xi32>
      %gather3A_582 = tpu.vector_load_idx %arg6[%add3A_581, %add3A_447] : memref<32x2048xf32, #tpu.memory_space<vmem>>[vector<16xi32>, vector<16xi32>], vector<16xf32>,
      %mul3A_583 = arith.constant 16 : i32
      %mul3A_584 = arith.muli %add3A_11, %mul3A_583 : i32
      %swap3A_585 = arith.constant 13 : i32
      %swap3A_586 = arith.index_cast %swap3A_585 : i32 to index
      %swap3A_587 = arith.index_cast %mul3A_584 : i32 to index
      %swap3A_588 = tpu.vector_load %arg7[%swap3A_586, %swap3A_587] {strides = array<i32>} : memref<32x512xf32, #tpu.memory_space<vmem>>, vector<16xf32>,
      tpu.vector_store %arg7[%swap3A_586, %swap3A_587], %gather3A_582 {strides = array<i32>} : memref<32x512xf32, #tpu.memory_space<vmem>>, vector<16xf32>,
      %add3A_589 = arith.constant 14 : i32
      %add3A_590 = vector.broadcast %add3A_589 : i32 to vector<16xi32>
      %add3A_591 = arith.addi %mul3A_450, %add3A_590 : vector<16xi32>
      %gather3A_592 = tpu.vector_load_idx %arg6[%add3A_591, %add3A_447] : memref<32x2048xf32, #tpu.memory_space<vmem>>[vector<16xi32>, vector<16xi32>], vector<16xf32>,
      %mul3A_593 = arith.constant 16 : i32
      %mul3A_594 = arith.muli %add3A_11, %mul3A_593 : i32
      %swap3A_595 = arith.constant 14 : i32
      %swap3A_596 = arith.index_cast %swap3A_595 : i32 to index
      %swap3A_597 = arith.index_cast %mul3A_594 : i32 to index
      %swap3A_598 = tpu.vector_load %arg7[%swap3A_596, %swap3A_597] {strides = array<i32>} : memref<32x512xf32, #tpu.memory_space<vmem>>, vector<16xf32>,
      tpu.vector_store %arg7[%swap3A_596, %swap3A_597], %gather3A_592 {strides = array<i32>} : memref<32x512xf32, #tpu.memory_space<vmem>>, vector<16xf32>,
      %add3A_599 = arith.constant 15 : i32
      %add3A_600 = vector.broadcast %add3A_599 : i32 to vector<16xi32>
      %add3A_601 = arith.addi %mul3A_450, %add3A_600 : vector<16xi32>
      %gather3A_602 = tpu.vector_load_idx %arg6[%add3A_601, %add3A_447] : memref<32x2048xf32, #tpu.memory_space<vmem>>[vector<16xi32>, vector<16xi32>], vector<16xf32>,
      %mul3A_603 = arith.constant 16 : i32
      %mul3A_604 = arith.muli %add3A_11, %mul3A_603 : i32
      %swap3A_605 = arith.constant 15 : i32
      %swap3A_606 = arith.index_cast %swap3A_605 : i32 to index
      %swap3A_607 = arith.index_cast %mul3A_604 : i32 to index
      %swap3A_608 = tpu.vector_load %arg7[%swap3A_606, %swap3A_607] {strides = array<i32>} : memref<32x512xf32, #tpu.memory_space<vmem>>, vector<16xf32>,
      tpu.vector_store %arg7[%swap3A_606, %swap3A_607], %gather3A_602 {strides = array<i32>} : memref<32x512xf32, #tpu.memory_space<vmem>>, vector<16xf32>,
      %add3A_609 = arith.constant 16 : i32
      %add3A_610 = vector.broadcast %add3A_609 : i32 to vector<16xi32>
      %add3A_611 = arith.addi %mul3A_450, %add3A_610 : vector<16xi32>
      %gather3A_612 = tpu.vector_load_idx %arg6[%add3A_611, %add3A_447] : memref<32x2048xf32, #tpu.memory_space<vmem>>[vector<16xi32>, vector<16xi32>], vector<16xf32>,
      %mul3A_613 = arith.constant 16 : i32
      %mul3A_614 = arith.muli %add3A_11, %mul3A_613 : i32
      %swap3A_615 = arith.constant 16 : i32
      %swap3A_616 = arith.index_cast %swap3A_615 : i32 to index
      %swap3A_617 = arith.index_cast %mul3A_614 : i32 to index
      %swap3A_618 = tpu.vector_load %arg7[%swap3A_616, %swap3A_617] {strides = array<i32>} : memref<32x512xf32, #tpu.memory_space<vmem>>, vector<16xf32>,
      tpu.vector_store %arg7[%swap3A_616, %swap3A_617], %gather3A_612 {strides = array<i32>} : memref<32x512xf32, #tpu.memory_space<vmem>>, vector<16xf32>,
      %add3A_619 = arith.constant 17 : i32
      %add3A_620 = vector.broadcast %add3A_619 : i32 to vector<16xi32>
      %add3A_621 = arith.addi %mul3A_450, %add3A_620 : vector<16xi32>
      %gather3A_622 = tpu.vector_load_idx %arg6[%add3A_621, %add3A_447] : memref<32x2048xf32, #tpu.memory_space<vmem>>[vector<16xi32>, vector<16xi32>], vector<16xf32>,
      %mul3A_623 = arith.constant 16 : i32
      %mul3A_624 = arith.muli %add3A_11, %mul3A_623 : i32
      %swap3A_625 = arith.constant 17 : i32
      %swap3A_626 = arith.index_cast %swap3A_625 : i32 to index
      %swap3A_627 = arith.index_cast %mul3A_624 : i32 to index
      %swap3A_628 = tpu.vector_load %arg7[%swap3A_626, %swap3A_627] {strides = array<i32>} : memref<32x512xf32, #tpu.memory_space<vmem>>, vector<16xf32>,
      tpu.vector_store %arg7[%swap3A_626, %swap3A_627], %gather3A_622 {strides = array<i32>} : memref<32x512xf32, #tpu.memory_space<vmem>>, vector<16xf32>,
      %add3A_629 = arith.constant 18 : i32
      %add3A_630 = vector.broadcast %add3A_629 : i32 to vector<16xi32>
      %add3A_631 = arith.addi %mul3A_450, %add3A_630 : vector<16xi32>
      %gather3A_632 = tpu.vector_load_idx %arg6[%add3A_631, %add3A_447] : memref<32x2048xf32, #tpu.memory_space<vmem>>[vector<16xi32>, vector<16xi32>], vector<16xf32>,
      %mul3A_633 = arith.constant 16 : i32
      %mul3A_634 = arith.muli %add3A_11, %mul3A_633 : i32
      %swap3A_635 = arith.constant 18 : i32
      %swap3A_636 = arith.index_cast %swap3A_635 : i32 to index
      %swap3A_637 = arith.index_cast %mul3A_634 : i32 to index
      %swap3A_638 = tpu.vector_load %arg7[%swap3A_636, %swap3A_637] {strides = array<i32>} : memref<32x512xf32, #tpu.memory_space<vmem>>, vector<16xf32>,
      tpu.vector_store %arg7[%swap3A_636, %swap3A_637], %gather3A_632 {strides = array<i32>} : memref<32x512xf32, #tpu.memory_space<vmem>>, vector<16xf32>,
      %add3A_639 = arith.constant 19 : i32
      %add3A_640 = vector.broadcast %add3A_639 : i32 to vector<16xi32>
      %add3A_641 = arith.addi %mul3A_450, %add3A_640 : vector<16xi32>
      %gather3A_642 = tpu.vector_load_idx %arg6[%add3A_641, %add3A_447] : memref<32x2048xf32, #tpu.memory_space<vmem>>[vector<16xi32>, vector<16xi32>], vector<16xf32>,
      %mul3A_643 = arith.constant 16 : i32
      %mul3A_644 = arith.muli %add3A_11, %mul3A_643 : i32
      %swap3A_645 = arith.constant 19 : i32
      %swap3A_646 = arith.index_cast %swap3A_645 : i32 to index
      %swap3A_647 = arith.index_cast %mul3A_644 : i32 to index
      %swap3A_648 = tpu.vector_load %arg7[%swap3A_646, %swap3A_647] {strides = array<i32>} : memref<32x512xf32, #tpu.memory_space<vmem>>, vector<16xf32>,
      tpu.vector_store %arg7[%swap3A_646, %swap3A_647], %gather3A_642 {strides = array<i32>} : memref<32x512xf32, #tpu.memory_space<vmem>>, vector<16xf32>,
      %add3A_649 = arith.constant 20 : i32
      %add3A_650 = vector.broadcast %add3A_649 : i32 to vector<16xi32>
      %add3A_651 = arith.addi %mul3A_450, %add3A_650 : vector<16xi32>
      %gather3A_652 = tpu.vector_load_idx %arg6[%add3A_651, %add3A_447] : memref<32x2048xf32, #tpu.memory_space<vmem>>[vector<16xi32>, vector<16xi32>], vector<16xf32>,
      %mul3A_653 = arith.constant 16 : i32
      %mul3A_654 = arith.muli %add3A_11, %mul3A_653 : i32
      %swap3A_655 = arith.constant 20 : i32
      %swap3A_656 = arith.index_cast %swap3A_655 : i32 to index
      %swap3A_657 = arith.index_cast %mul3A_654 : i32 to index
      %swap3A_658 = tpu.vector_load %arg7[%swap3A_656, %swap3A_657] {strides = array<i32>} : memref<32x512xf32, #tpu.memory_space<vmem>>, vector<16xf32>,
      tpu.vector_store %arg7[%swap3A_656, %swap3A_657], %gather3A_652 {strides = array<i32>} : memref<32x512xf32, #tpu.memory_space<vmem>>, vector<16xf32>,
      %add3A_659 = arith.constant 21 : i32
      %add3A_660 = vector.broadcast %add3A_659 : i32 to vector<16xi32>
      %add3A_661 = arith.addi %mul3A_450, %add3A_660 : vector<16xi32>
      %gather3A_662 = tpu.vector_load_idx %arg6[%add3A_661, %add3A_447] : memref<32x2048xf32, #tpu.memory_space<vmem>>[vector<16xi32>, vector<16xi32>], vector<16xf32>,
      %mul3A_663 = arith.constant 16 : i32
      %mul3A_664 = arith.muli %add3A_11, %mul3A_663 : i32
      %swap3A_665 = arith.constant 21 : i32
      %swap3A_666 = arith.index_cast %swap3A_665 : i32 to index
      %swap3A_667 = arith.index_cast %mul3A_664 : i32 to index
      %swap3A_668 = tpu.vector_load %arg7[%swap3A_666, %swap3A_667] {strides = array<i32>} : memref<32x512xf32, #tpu.memory_space<vmem>>, vector<16xf32>,
      tpu.vector_store %arg7[%swap3A_666, %swap3A_667], %gather3A_662 {strides = array<i32>} : memref<32x512xf32, #tpu.memory_space<vmem>>, vector<16xf32>,
      %add3A_669 = arith.constant 22 : i32
      %add3A_670 = vector.broadcast %add3A_669 : i32 to vector<16xi32>
      %add3A_671 = arith.addi %mul3A_450, %add3A_670 : vector<16xi32>
      %gather3A_672 = tpu.vector_load_idx %arg6[%add3A_671, %add3A_447] : memref<32x2048xf32, #tpu.memory_space<vmem>>[vector<16xi32>, vector<16xi32>], vector<16xf32>,
      %mul3A_673 = arith.constant 16 : i32
      %mul3A_674 = arith.muli %add3A_11, %mul3A_673 : i32
      %swap3A_675 = arith.constant 22 : i32
      %swap3A_676 = arith.index_cast %swap3A_675 : i32 to index
      %swap3A_677 = arith.index_cast %mul3A_674 : i32 to index
      %swap3A_678 = tpu.vector_load %arg7[%swap3A_676, %swap3A_677] {strides = array<i32>} : memref<32x512xf32, #tpu.memory_space<vmem>>, vector<16xf32>,
      tpu.vector_store %arg7[%swap3A_676, %swap3A_677], %gather3A_672 {strides = array<i32>} : memref<32x512xf32, #tpu.memory_space<vmem>>, vector<16xf32>,
      %add3A_679 = arith.constant 23 : i32
      %add3A_680 = vector.broadcast %add3A_679 : i32 to vector<16xi32>
      %add3A_681 = arith.addi %mul3A_450, %add3A_680 : vector<16xi32>
      %gather3A_682 = tpu.vector_load_idx %arg6[%add3A_681, %add3A_447] : memref<32x2048xf32, #tpu.memory_space<vmem>>[vector<16xi32>, vector<16xi32>], vector<16xf32>,
      %mul3A_683 = arith.constant 16 : i32
      %mul3A_684 = arith.muli %add3A_11, %mul3A_683 : i32
      %swap3A_685 = arith.constant 23 : i32
      %swap3A_686 = arith.index_cast %swap3A_685 : i32 to index
      %swap3A_687 = arith.index_cast %mul3A_684 : i32 to index
      %swap3A_688 = tpu.vector_load %arg7[%swap3A_686, %swap3A_687] {strides = array<i32>} : memref<32x512xf32, #tpu.memory_space<vmem>>, vector<16xf32>,
      tpu.vector_store %arg7[%swap3A_686, %swap3A_687], %gather3A_682 {strides = array<i32>} : memref<32x512xf32, #tpu.memory_space<vmem>>, vector<16xf32>,
      %add3A_689 = arith.constant 24 : i32
      %add3A_690 = vector.broadcast %add3A_689 : i32 to vector<16xi32>
      %add3A_691 = arith.addi %mul3A_450, %add3A_690 : vector<16xi32>
      %gather3A_692 = tpu.vector_load_idx %arg6[%add3A_691, %add3A_447] : memref<32x2048xf32, #tpu.memory_space<vmem>>[vector<16xi32>, vector<16xi32>], vector<16xf32>,
      %mul3A_693 = arith.constant 16 : i32
      %mul3A_694 = arith.muli %add3A_11, %mul3A_693 : i32
      %swap3A_695 = arith.constant 24 : i32
      %swap3A_696 = arith.index_cast %swap3A_695 : i32 to index
      %swap3A_697 = arith.index_cast %mul3A_694 : i32 to index
      %swap3A_698 = tpu.vector_load %arg7[%swap3A_696, %swap3A_697] {strides = array<i32>} : memref<32x512xf32, #tpu.memory_space<vmem>>, vector<16xf32>,
      tpu.vector_store %arg7[%swap3A_696, %swap3A_697], %gather3A_692 {strides = array<i32>} : memref<32x512xf32, #tpu.memory_space<vmem>>, vector<16xf32>,
      %add3A_699 = arith.constant 25 : i32
      %add3A_700 = vector.broadcast %add3A_699 : i32 to vector<16xi32>
      %add3A_701 = arith.addi %mul3A_450, %add3A_700 : vector<16xi32>
      %gather3A_702 = tpu.vector_load_idx %arg6[%add3A_701, %add3A_447] : memref<32x2048xf32, #tpu.memory_space<vmem>>[vector<16xi32>, vector<16xi32>], vector<16xf32>,
      %mul3A_703 = arith.constant 16 : i32
      %mul3A_704 = arith.muli %add3A_11, %mul3A_703 : i32
      %swap3A_705 = arith.constant 25 : i32
      %swap3A_706 = arith.index_cast %swap3A_705 : i32 to index
      %swap3A_707 = arith.index_cast %mul3A_704 : i32 to index
      %swap3A_708 = tpu.vector_load %arg7[%swap3A_706, %swap3A_707] {strides = array<i32>} : memref<32x512xf32, #tpu.memory_space<vmem>>, vector<16xf32>,
      tpu.vector_store %arg7[%swap3A_706, %swap3A_707], %gather3A_702 {strides = array<i32>} : memref<32x512xf32, #tpu.memory_space<vmem>>, vector<16xf32>,
      %add3A_709 = arith.constant 26 : i32
      %add3A_710 = vector.broadcast %add3A_709 : i32 to vector<16xi32>
      %add3A_711 = arith.addi %mul3A_450, %add3A_710 : vector<16xi32>
      %gather3A_712 = tpu.vector_load_idx %arg6[%add3A_711, %add3A_447] : memref<32x2048xf32, #tpu.memory_space<vmem>>[vector<16xi32>, vector<16xi32>], vector<16xf32>,
      %mul3A_713 = arith.constant 16 : i32
      %mul3A_714 = arith.muli %add3A_11, %mul3A_713 : i32
      %swap3A_715 = arith.constant 26 : i32
      %swap3A_716 = arith.index_cast %swap3A_715 : i32 to index
      %swap3A_717 = arith.index_cast %mul3A_714 : i32 to index
      %swap3A_718 = tpu.vector_load %arg7[%swap3A_716, %swap3A_717] {strides = array<i32>} : memref<32x512xf32, #tpu.memory_space<vmem>>, vector<16xf32>,
      tpu.vector_store %arg7[%swap3A_716, %swap3A_717], %gather3A_712 {strides = array<i32>} : memref<32x512xf32, #tpu.memory_space<vmem>>, vector<16xf32>,
      %add3A_719 = arith.constant 27 : i32
      %add3A_720 = vector.broadcast %add3A_719 : i32 to vector<16xi32>
      %add3A_721 = arith.addi %mul3A_450, %add3A_720 : vector<16xi32>
      %gather3A_722 = tpu.vector_load_idx %arg6[%add3A_721, %add3A_447] : memref<32x2048xf32, #tpu.memory_space<vmem>>[vector<16xi32>, vector<16xi32>], vector<16xf32>,
      %mul3A_723 = arith.constant 16 : i32
      %mul3A_724 = arith.muli %add3A_11, %mul3A_723 : i32
      %swap3A_725 = arith.constant 27 : i32
      %swap3A_726 = arith.index_cast %swap3A_725 : i32 to index
      %swap3A_727 = arith.index_cast %mul3A_724 : i32 to index
      %swap3A_728 = tpu.vector_load %arg7[%swap3A_726, %swap3A_727] {strides = array<i32>} : memref<32x512xf32, #tpu.memory_space<vmem>>, vector<16xf32>,
      tpu.vector_store %arg7[%swap3A_726, %swap3A_727], %gather3A_722 {strides = array<i32>} : memref<32x512xf32, #tpu.memory_space<vmem>>, vector<16xf32>,
      %add3A_729 = arith.constant 28 : i32
      %add3A_730 = vector.broadcast %add3A_729 : i32 to vector<16xi32>
      %add3A_731 = arith.addi %mul3A_450, %add3A_730 : vector<16xi32>
      %gather3A_732 = tpu.vector_load_idx %arg6[%add3A_731, %add3A_447] : memref<32x2048xf32, #tpu.memory_space<vmem>>[vector<16xi32>, vector<16xi32>], vector<16xf32>,
      %mul3A_733 = arith.constant 16 : i32
      %mul3A_734 = arith.muli %add3A_11, %mul3A_733 : i32
      %swap3A_735 = arith.constant 28 : i32
      %swap3A_736 = arith.index_cast %swap3A_735 : i32 to index
      %swap3A_737 = arith.index_cast %mul3A_734 : i32 to index
      %swap3A_738 = tpu.vector_load %arg7[%swap3A_736, %swap3A_737] {strides = array<i32>} : memref<32x512xf32, #tpu.memory_space<vmem>>, vector<16xf32>,
      tpu.vector_store %arg7[%swap3A_736, %swap3A_737], %gather3A_732 {strides = array<i32>} : memref<32x512xf32, #tpu.memory_space<vmem>>, vector<16xf32>,
      %add3A_739 = arith.constant 29 : i32
      %add3A_740 = vector.broadcast %add3A_739 : i32 to vector<16xi32>
      %add3A_741 = arith.addi %mul3A_450, %add3A_740 : vector<16xi32>
      %gather3A_742 = tpu.vector_load_idx %arg6[%add3A_741, %add3A_447] : memref<32x2048xf32, #tpu.memory_space<vmem>>[vector<16xi32>, vector<16xi32>], vector<16xf32>,
      %mul3A_743 = arith.constant 16 : i32
      %mul3A_744 = arith.muli %add3A_11, %mul3A_743 : i32
      %swap3A_745 = arith.constant 29 : i32
      %swap3A_746 = arith.index_cast %swap3A_745 : i32 to index
      %swap3A_747 = arith.index_cast %mul3A_744 : i32 to index
      %swap3A_748 = tpu.vector_load %arg7[%swap3A_746, %swap3A_747] {strides = array<i32>} : memref<32x512xf32, #tpu.memory_space<vmem>>, vector<16xf32>,
      tpu.vector_store %arg7[%swap3A_746, %swap3A_747], %gather3A_742 {strides = array<i32>} : memref<32x512xf32, #tpu.memory_space<vmem>>, vector<16xf32>,
      %add3A_749 = arith.constant 30 : i32
      %add3A_750 = vector.broadcast %add3A_749 : i32 to vector<16xi32>
      %add3A_751 = arith.addi %mul3A_450, %add3A_750 : vector<16xi32>
      %gather3A_752 = tpu.vector_load_idx %arg6[%add3A_751, %add3A_447] : memref<32x2048xf32, #tpu.memory_space<vmem>>[vector<16xi32>, vector<16xi32>], vector<16xf32>,
      %mul3A_753 = arith.constant 16 : i32
      %mul3A_754 = arith.muli %add3A_11, %mul3A_753 : i32
      %swap3A_755 = arith.constant 30 : i32
      %swap3A_756 = arith.index_cast %swap3A_755 : i32 to index
      %swap3A_757 = arith.index_cast %mul3A_754 : i32 to index
      %swap3A_758 = tpu.vector_load %arg7[%swap3A_756, %swap3A_757] {strides = array<i32>} : memref<32x512xf32, #tpu.memory_space<vmem>>, vector<16xf32>,
      tpu.vector_store %arg7[%swap3A_756, %swap3A_757], %gather3A_752 {strides = array<i32>} : memref<32x512xf32, #tpu.memory_space<vmem>>, vector<16xf32>,
      %add3A_759 = arith.constant 31 : i32
      %add3A_760 = vector.broadcast %add3A_759 : i32 to vector<16xi32>
      %add3A_761 = arith.addi %mul3A_450, %add3A_760 : vector<16xi32>
      %gather3A_762 = tpu.vector_load_idx %arg6[%add3A_761, %add3A_447] : memref<32x2048xf32, #tpu.memory_space<vmem>>[vector<16xi32>, vector<16xi32>], vector<16xf32>,
      %mul3A_763 = arith.constant 16 : i32
      %mul3A_764 = arith.muli %add3A_11, %mul3A_763 : i32
      %swap3A_765 = arith.constant 31 : i32
      %swap3A_766 = arith.index_cast %swap3A_765 : i32 to index
      %swap3A_767 = arith.index_cast %mul3A_764 : i32 to index
      %swap3A_768 = tpu.vector_load %arg7[%swap3A_766, %swap3A_767] {strides = array<i32>} : memref<32x512xf32, #tpu.memory_space<vmem>>, vector<16xf32>,
      tpu.vector_store %arg7[%swap3A_766, %swap3A_767], %gather3A_762 {strides = array<i32>} : memref<32x512xf32, #tpu.memory_space<vmem>>, vector<16xf32>,
    }
    %scan3A_6 = arith.constant 32 : i32
    "tpu.region"() ({
      %run_scoped3A = tpu.sem_alloc : memref<!tpu.dma_semaphore, #tpu.memory_space<semaphore_mem>>
      %dma_start3A = arith.constant 0 : i32
      %dma_start3A_7 = tpu.memref_slice %arg4[%dma_start3A, %multiple_of3A] : memref<32x16384xf32, #tpu.memory_space<hbm>> -> memref<32x512xf32, #tpu.memory_space<hbm>>
      %dma_start3A_8 = arith.constant 0 : i32
      %dma_start3A_9 = tpu.memref_slice %arg4[%dma_start3A_8, %multiple_of3A] : memref<32x16384xf32, #tpu.memory_space<hbm>> -> memref<32x512xf32, #tpu.memory_space<hbm>>
      tpu.enqueue_dma source(%arg7 : memref<32x512xf32, #tpu.memory_space<vmem>>) target(%dma_start3A_9 : memref<32x512xf32, #tpu.memory_space<hbm>>) target_semaphore(%run_scoped3A : memref<!tpu.dma_semaphore, #tpu.memory_space<semaphore_mem>>)
      %dma_wait3A = arith.constant 0 : i32
      %dma_wait3A_10 = tpu.memref_slice %arg4[%dma_wait3A, %multiple_of3A] : memref<32x16384xf32, #tpu.memory_space<hbm>> -> memref<32x512xf32, #tpu.memory_space<hbm>>
      %dma_wait3A_11 = arith.constant 0 : i32
      %dma_wait3A_12 = tpu.memref_slice %arg4[%dma_wait3A_11, %multiple_of3A] : memref<32x16384xf32, #tpu.memory_space<hbm>> -> memref<32x512xf32, #tpu.memory_space<hbm>>
      tpu.wait_dma2 semaphore(%run_scoped3A : memref<!tpu.dma_semaphore, #tpu.memory_space<semaphore_mem>>) src(%arg7 : memref<32x512xf32, #tpu.memory_space<vmem>>) dst(%dma_wait3A_12 : memref<32x512xf32, #tpu.memory_space<hbm>>)
      tpu.yield
    }) : () -> ()
    return
  }
}

</mosaic_0001>

<sc_bundles>
// kernel: kernel.3.cloned.1.call-start
scs
__scs_entry_jumppad:
0x0: {  	(pc) =	sbr.rel $0x88, $3  }
0x1: {  	(tag) =	ssettag $0x0;
	lr =	simm.s32 $0x1  }
0x2: {  	[smem:$0x3F9F] =	sst lr;
	_ =	strace $0xD0000000  }
0x3: {  	_ = 	snop  }
0x4: {  	_ = 	snop  }
0x5: {  	_ = 	snop  }
0x6: {  	_ = 	snop  }
0x7: {  	_ = 	snop  }
__scs_overlays_trampoline_lowered:
0x8: {  	[smem:$0x3FAE] =	sst s0  }
0x9: {  	[smem:$0x3FAF] =	sst s1  }
0xa: {  	[smem:$0x3FB0] =	sst s2  }
0xb: {  	[smem:$0x3FB1] =	sst s3  }
0xc: {  	[smem:$0x3FB2] =	sst s4  }
0xd: {  	[smem:$0x3FB3] =	sst s5  }
0xe: {  	[smem:$0x3FB4] =	sst s6  }
0xf: {  	[smem:$0x3FB5] =	sst s7  }
0x10: {  	[smem:$0x3FB6] =	sst s8  }
0x11: {  	[smem:$0x3FB7] =	sst s9;
	s0 =	simm.s32 @!p0 $0x0  }
0x12: {  	s1 =	sld [smem:$0x3F9D];
	s0 =	simm.s32 @p0 $0x1  }
0x13: {  	[smem:$0x3FB8] =	sst s0;
	s0 =	simm.s32 @!p1 $0x0  }
0x14: {  	s2 =	sld [smem:$0x3F9C];
	s0 =	simm.s32 @p1 $0x1  }
0x15: {  	[smem:$0x3FB9] =	sst s0;
	s0 =	simm.s32 @!p2 $0x0  }
0x16: {  	s3 =	sld [smem:$0x3FDB];
	s0 =	simm.s32 @p2 $0x1  }
0x17: {  	s4 =	simm.s32 $0x1BF5;
	[smem:$0x3FBB] =	sst s0  }
0x18: {  	s0 =	sld [smem:$0x3F9E];
	_ =	swait.ge [sflag:s4], $0x0  }
0x19: {  	s7 =	sld [smem:$0x3F9F]  }
0x1a: {  	s8 =	sadd.s32 $0xFFFFE003, lr  }
0x1b: {  	s9 =	sadd.s32 $0xFFFFFEF7, lr;
	s5 =	simm.s32 $0xFFFFFFFF;
	p2 =	slt.u32 s8, $0xFFFFF086  }
0x1c: {  	p1 =	slt.u32 s9, $0xF7A;
	s5 =	simm.s32 @!p2 $0x0  }
0x1d: {  	s5 =	simm.s32 @p1 $0x1;
	p0 =	seq.s32 s7, s2  }
0x1e: {  	s7 =	smul.u32 @!p0 $0xF7A, s2;
	p2 =	seq.s32 @!p0 s5, $0x0  }
0x1f: {  	s9 =	smul.u32 $0xF7A, s1;
	s8 =	simm.s32 @!p0 $0x1BF5;
	p2 =	por !p2, p0  }
0x20: {  	[sflag:s8] =	ssyncset.s32 @!p0 $0xFFFFF086;
	s6 =	sadd.s32 @!p0 s3, s7;
	s7 =	simm.s32 @!p0 $0x108  }
0x21: {  	s3 =	sadd.s32 s3, s9;
	s6 =	sadd.s32 @!p0 $0x88, s6;
	s7 =	simm.s32 @p2 $0x1082  }
0x22: {  	[simem:s7], [sflag:s8] =	dma.local @!p0 [hbm:s6], $0xF7A  }
0x23: {  	s9 =	sor.u32 $0xD0000000, s2;
	s6 =	simm.s32 $0x108;
	_ =	swait.ge @!p0 [sflag:s8], $0x0  }
0x24: {  	s3 =	sadd.s32 $0x88, s3;
	s6 =	simm.s32 @!p1 $0x1082;
	[sflag:s4] =	ssyncset.s32 $0xFFFFF086  }
0x25: {  	[simem:s6], [sflag:s4] =	dma.local [hbm:s3], $0xF7A  }
0x26: {  	[smem:$0x3F9F] =	sst s1;
	(tag) =	ssettag s2;
	_ =	strace s9  }
0x27: {  	s1 =	sld [smem:$0x3FAF]  }
0x28: {  	s2 =	sld [smem:$0x3FB0]  }
0x29: {  	s4 =	sld [smem:$0x3FB2]  }
0x2a: {  	p0 =	seq.s32 s5, $0x0;
	s5 =	sld [smem:$0x3FB3]  }
0x2b: {  	s6 =	sld [smem:$0x3FB4]  }
0x2c: {  	s7 =	sld [smem:$0x3FB5]  }
0x2d: {  	s3 =	simm.s32 $0x108;
	s8 =	sld [smem:$0x3FB6]  }
0x2e: {  	s3 =	simm.s32 @!p0 $0x1082;
	s9 =	sld [smem:$0x3FB7]  }
0x2f: {  	lr =	sadd.s32 s0, s3;
	s0 =	sld [smem:$0x3FAE]  }
0x30: {  	s3 =	sld [smem:$0x3FB1]  }
0x31: {  	[smem:$0x3FBA] =	sst s10  }
0x32: {  	s10 =	sld [smem:$0x3FB8];
	_ =	sdelay $0x3  }
0x33: {  	p0 =	seq.s32 s10, $0x1;
	s10 =	sld [smem:$0x3FBA];
	_ =	sdelay $0x3  }
0x34: {  	[smem:$0x3FBA] =	sst s10  }
0x35: {  	s10 =	sld [smem:$0x3FB9];
	_ =	sdelay $0x3  }
0x36: {  	p1 =	seq.s32 s10, $0x1;
	s10 =	sld [smem:$0x3FBA];
	_ =	sdelay $0x3  }
0x37: {  	[smem:$0x3FBA] =	sst s10  }
0x38: {  	s10 =	sld [smem:$0x3FBB]  }
0x39: {  	_ = 	snop;
	(pc) =	sbr.ind lr, $3  }
0x3a: {  	_ = 	snop  }
0x3b: {  	_ = 	snop  }
0x3c: {  	p2 =	seq.s32 s10, $0x1;
	s10 =	sld [smem:$0x3FBA]  }
0x3d: {  	_ =	shalt  }
0x3e: {  	_ =	shalt  }
0x3f: {  	_ =	shalt  }
0x40: {  	_ =	shalt  }
0x41: {  	_ =	shalt  }
0x42: {  	_ =	shalt  }
0x43: {  	_ =	shalt  }
0x44: {  	_ =	shalt  }
0x45: {  	_ =	shalt  }
0x46: {  	_ =	shalt  }
0x47: {  	_ =	shalt  }
0x48: {  	_ =	shalt  }
0x49: {  	_ =	shalt  }
0x4a: {  	_ =	shalt  }
0x4b: {  	_ =	shalt  }
0x4c: {  	_ =	shalt  }
0x4d: {  	_ =	shalt  }
0x4e: {  	_ =	shalt  }
0x4f: {  	_ =	shalt  }
0x50: {  	_ =	shalt  }
0x51: {  	_ =	shalt  }
0x52: {  	_ =	shalt  }
0x53: {  	_ =	shalt  }
0x54: {  	_ =	shalt  }
0x55: {  	_ =	shalt  }
0x56: {  	_ =	shalt  }
0x57: {  	_ =	shalt  }
0x58: {  	_ =	shalt  }
0x59: {  	_ =	shalt  }
0x5a: {  	_ =	shalt  }
0x5b: {  	_ =	shalt  }
0x5c: {  	_ =	shalt  }
0x5d: {  	_ =	shalt  }
0x5e: {  	_ =	shalt  }
0x5f: {  	_ =	shalt  }
0x60: {  	_ =	shalt  }
0x61: {  	_ =	shalt  }
0x62: {  	_ =	shalt  }
0x63: {  	_ =	shalt  }
0x64: {  	_ =	shalt  }
0x65: {  	_ =	shalt  }
0x66: {  	_ =	shalt  }
0x67: {  	_ =	shalt  }
0x68: {  	_ =	shalt  }
0x69: {  	_ =	shalt  }
0x6a: {  	_ =	shalt  }
0x6b: {  	_ =	shalt  }
0x6c: {  	_ =	shalt  }
0x6d: {  	_ =	shalt  }
0x6e: {  	_ =	shalt  }
0x6f: {  	_ =	shalt  }
0x70: {  	_ =	shalt  }
0x71: {  	_ =	shalt  }
0x72: {  	_ =	shalt  }
0x73: {  	_ =	shalt  }
0x74: {  	_ =	shalt  }
0x75: {  	_ =	shalt  }
0x76: {  	_ =	shalt  }
0x77: {  	_ =	shalt  }
0x78: {  	_ =	shalt  }
0x79: {  	_ =	shalt  }
0x7a: {  	_ =	shalt  }
0x7b: {  	_ =	shalt  }
0x7c: {  	_ =	shalt  }
0x7d: {  	_ =	shalt  }
0x7e: {  	_ =	shalt  }
0x7f: {  	_ =	shalt  }
0x80: {  	_ =	shalt  }
0x81: {  	_ =	shalt  }
0x82: {  	_ =	shalt  }
0x83: {  	_ =	shalt  }
0x84: {  	_ =	shalt  }
0x85: {  	_ =	shalt  }
0x86: {  	_ =	shalt  }
0x87: {  	_ =	shalt  }
.Lfunc_end0:
.L_simem_size_0:
called_computation_lowered:
.L_overlay_start_0:
0x88: {  	s2 =	sld [smem:$0x3FD9]  }
0x89: {  	s3 =	sld [smem:$0x3FFE];
	_ =	sdelay $0x1  }
0x8a: {  	s1 =	srdreg.scid  }
0x8b: {  	s0 =	sand.u32 $0x1, s1  }
0x8c: {  	s17 =	sshll.u32 s0, $0xA;
	s2 =	sadd.s32 s3, s2  }
0x8d: {  	s2 =	sadd.s32 s2, s17  }
0x8e: {  	[smem:$0x3FC6] =	sst s2  }
0x8f: {  	_ = 	snop  }
0x90: {  	s2 =	sld [smem:$0x3FC8]  }
0x91: {  	s18 =	sld [smem:$0x3FD0];
	(tm) =	ssettm $0x1  }
0x92: {  	s4 =	sld [smem:$0x3FFB];
	_ =	sdelay $0x3  }
0x93: {  	_ =	strace s4  }
0x94: {  	s4 =	sld [smem:$0x3FFC];
	_ =	sdelay $0x3  }
0x95: {  	_ =	strace s4  }
0x96: {  	s4 =	sld [smem:$0x3FFD];
	_ =	sdelay $0x3  }
0x97: {  	_ =	strace s4  }
0x98: {  	_ =	strace $0x8FFFFFFF  }
0x99: {  	s19 =	sld [smem:$0x3FDB];
	_ =	sdelay $0x1  }
0x9a: {  	s5 =	simm.s32 $_scs_section_size  }
0x9b: {  	s6 =	simm.s32 $_size__tile_overlayer_lowered;
	s7 =	simm.s32 $_tile_overlayer_lowered  }
0x9c: {  	s22 =	simm.s32 $0x1BFF;
	s21 =	sshll.u32 s7, $0x1;
	s4 =	sadd.s32 s5, s19  }
0x9d: {  	s8 =	simm.s32 $0x0;
	s20 =	sshll.u32 s6, $0x1;
	s6 =	sadd.s32 s21, s4  }
0x9e: {  	[timem:s8], [sflag:s22] =	dma.local [hbm:s6], s20  }
0x9f: {  	_ =	swait.ge [sflag:s22], s20  }
0xa0: {  	s5 =	ssub.s32 $0x0, s20;
	[sflag:s22] =	ssyncset.done $0x0  }
0xa1: {  	[sflag:s22] =	ssyncadd.s32 s5;
	_ =	sdelay $0x1  }
0xa2: {  	s23 =	simm.s32 $0x1B8B  }
0xa3: {  	_ =	swait.ge [sflag:s23], $0x1  }
0xa4: {  	[sflag:s23] =	ssyncset.done $0x0  }
0xa5: {  	s25 =	simm.s32 $0x1B8E;
	s24 =	sld [smem:$0x3FFE];
	[sflag:s23] =	ssyncadd.s32 $0xFFFFFFFF  }
0xa6: {  	s26 =	simm.s32 $execute0_lowered;
	[smem:$0x3FD2] =	sst s25  }
0xa7: {  	s6 =	sshll.u32 s26, $0x1;
	_ =	strace $0x80000046;
	[dreg:$0x1] =	wrdreg $0xFFFFFFFF  }
0xa8: {  	s28 =	simm.s32 $_size_execute0_lowered;
	s4 =	sadd.s32 s4, s6;
	[dreg:$0x0] =	wrdreg $0x0  }
0xa9: {  	s6 =	sshll.u32 s28, $0x1;
	[dreg:$0x2] =	wrdreg s4  }
0xaa: {  	[dreg:$0x3] =	wrdreg s6  }
0xab: {  	[dreg:$0x4] =	wrdreg $0xC0  }
0xac: {  	_ =	task [dreg:s8], $0x5FFFF  }
0xad: {  	[dreg:$0x1] =	wrdreg $0xFFFFFFFF  }
0xae: {  	[dreg:$0x0] =	wrdreg $0x60  }
0xaf: {  	[dreg:$0x2] =	wrdreg s2  }
0xb0: {  	[dreg:$0x3] =	wrdreg s24  }
0xb1: {  	[dreg:$0x4] =	wrdreg s18  }
0xb2: {  	[dreg:$0x5] =	wrdreg $0x9  }
0xb3: {  	_ =	task.clear_ibuf [dreg:s8], $0x6FFFF;
	_ =	strace $0x90000046  }
0xb4: {  	s29 =	simm.s32 $0x9;
	_ =	strace $0x80000048  }
0xb5: {  	_ =	swait.ge [sflag:s29], $0x1  }
0xb6: {  	[sflag:s29] =	ssyncadd.s32 $0xFFFFFFFF  }
0xb7: {  	_ =	strace $0x90000048  }
0xb8: {  	_ =	sfence  }
0xb9: {  	s30 =	sld [smem:$0x0];
	_ =	sdelay $0x2  }
0xba: {  	s31 =	sshll.u32 s1, $0xD;
	s1 =	sshrl.u32 s1, $0x2  }
0xbb: {  	s3 =	sand.u32 $0x4000, s31;
	s1 =	sadd.s32 s1, s30  }
0xbc: {  	s0 =	sor.u32 s3, s0;
	s1 =	sshll.u32 s1, $0x11  }
0xbd: {  	s0 =	sor.u32 s1, s0  }
0xbe: {  	s0 =	sadd.s32 $0x8F2B, s0  }
0xbf: {  	[sflag:s0] =	ssyncadd.remote.s32 $0x1  }
0xc0: {  	_ =	sfence.sel $0xFFFF  }
0xc1: {  	[dreg:$0x0] =	wrdreg $0xFFFFFFFF;
	(pc) =	sbr.abs _section_cstart, $3  }
0xc2: {  	[dreg:$0x1] =	wrdreg $0xFFFFFFFF  }
0xc3: {  	_ =	task.clear_ibuf [dreg:s8], $0x2FFFF;
	_ =	strace $0x9FFFFFFF  }
0xc4: {  	(tm) =	ssettm $0x7FFFFFFF  }
0xc5: {  	_ =	shalt  }
tec
execute0_lowered:
.L_overlay_start_1:
0x0: {  	(tag) =	ssettag $0x1  }
0x1: {  	s1 =	rddreg [dreg:$0x0]  }
0x2: {  	s4 =	rddreg [dreg:$0x1]  }
0x3: {  	s5 =	rddreg [dreg:$0x2]  }
0x4: {  	s0 =	rddreg [dreg:$0x3];
	s2 =	simm.s32 $0x0  }
0x5: {  	s3 =	simm.s32 $0x5000;
	[smem:$0x7FF] =	sst s2  }
0x6: {  	s19 =	simm.s32 $0x9000;
	_ =	strace $0x80000047;
	[dreg:$0x4] =	wrdreg s3  }
0x7: {  	s20 =	simm.s32 $0xD000;
	[dreg:$0x5] =	wrdreg s19  }
0x8: {  	s21 =	simm.s32 $0x1400;
	[dreg:$0x6] =	wrdreg s20  }
0x9: {  	s22 =	simm.s32 $0x5400;
	[dreg:$0x7] =	wrdreg s21  }
0xa: {  	s23 =	simm.s32 $0x9400;
	[dreg:$0x8] =	wrdreg s22  }
0xb: {  	s24 =	simm.s32 $0xD400;
	[dreg:$0x9] =	wrdreg s23  }
0xc: {  	s25 =	simm.s32 $0x1800;
	[dreg:$0xa] =	wrdreg s24  }
0xd: {  	s26 =	simm.s32 $0x5800;
	[dreg:$0xb] =	wrdreg s25  }
0xe: {  	s28 =	simm.s32 $0x9800;
	[dreg:$0xc] =	wrdreg s26  }
0xf: {  	s29 =	simm.s32 $0xD800;
	[dreg:$0xd] =	wrdreg s28  }
0x10: {  	s30 =	simm.s32 $0x1C00;
	[dreg:$0xe] =	wrdreg s29  }
0x11: {  	s31 =	simm.s32 $0x5C00;
	[dreg:$0xf] =	wrdreg s30  }
0x12: {  	s6 =	simm.s32 $0x9C00;
	[dreg:$0x10] =	wrdreg s31  }
0x13: {  	s7 =	simm.s32 $0xDC00;
	[dreg:$0x11] =	wrdreg s6  }
0x14: {  	s8 =	simm.s32 $0x2000;
	[dreg:$0x12] =	wrdreg s7  }
0x15: {  	s9 =	simm.s32 $0x6000;
	[dreg:$0x13] =	wrdreg s8  }
0x16: {  	s10 =	simm.s32 $0xA000;
	[dreg:$0x14] =	wrdreg s9  }
0x17: {  	s11 =	simm.s32 $0xE000;
	[dreg:$0x15] =	wrdreg s10  }
0x18: {  	s12 =	simm.s32 $0x2400;
	[dreg:$0x16] =	wrdreg s11  }
0x19: {  	s13 =	simm.s32 $0x6400;
	[dreg:$0x17] =	wrdreg s12  }
0x1a: {  	s14 =	simm.s32 $0xA400;
	[dreg:$0x18] =	wrdreg s13  }
0x1b: {  	s15 =	simm.s32 $0xE400;
	[dreg:$0x19] =	wrdreg s14  }
0x1c: {  	s16 =	simm.s32 $0x2800;
	[dreg:$0x1a] =	wrdreg s15  }
0x1d: {  	s17 =	simm.s32 $0x6800;
	[dreg:$0x1b] =	wrdreg s16  }
0x1e: {  	s18 =	simm.s32 $0xA800;
	[dreg:$0x1c] =	wrdreg s17  }
0x1f: {  	[dreg:$0x1d] =	wrdreg s18;
	s19 =	simm.s32 $0xE800  }
0x20: {  	s20 =	simm.s32 $0x2C00;
	[dreg:$0x1e] =	wrdreg s19  }
0x21: {  	s21 =	simm.s32 $0x6C00;
	[dreg:$0x1f] =	wrdreg s20  }
0x22: {  	s22 =	simm.s32 $0xAC00;
	[smem:$0x7DB] =	sst s21  }
0x23: {  	s23 =	simm.s32 $0xEC00;
	[smem:$0x7DC] =	sst s22  }
0x24: {  	s24 =	simm.s32 $0x3000;
	[smem:$0x7DD] =	sst s23  }
0x25: {  	s25 =	simm.s32 $0x7000;
	[smem:$0x7DE] =	sst s24  }
0x26: {  	s26 =	simm.s32 $0xB000;
	[smem:$0x7DF] =	sst s25  }
0x27: {  	s28 =	simm.s32 $0xF000;
	[smem:$0x7E0] =	sst s26  }
0x28: {  	s29 =	simm.s32 $0x3400;
	[smem:$0x7E1] =	sst s28  }
0x29: {  	s30 =	simm.s32 $0x7400;
	[smem:$0x7E2] =	sst s29  }
0x2a: {  	s31 =	simm.s32 $0xB400;
	[smem:$0x7E3] =	sst s30  }
0x2b: {  	s6 =	simm.s32 $0xF400;
	[smem:$0x7E4] =	sst s31  }
0x2c: {  	s7 =	simm.s32 $0x3800;
	[smem:$0x7E5] =	sst s6  }
0x2d: {  	s8 =	simm.s32 $0x7800;
	[smem:$0x7E6] =	sst s7  }
0x2e: {  	s9 =	simm.s32 $0xB800;
	[smem:$0x7E7] =	sst s8  }
0x2f: {  	s10 =	simm.s32 $0xF800;
	[smem:$0x7E8] =	sst s9  }
0x30: {  	s11 =	simm.s32 $0x3C00;
	[smem:$0x7E9] =	sst s10  }
0x31: {  	s12 =	simm.s32 $0x7C00;
	[smem:$0x7EA] =	sst s11  }
0x32: {  	s13 =	simm.s32 $0xBC00;
	[smem:$0x7EB] =	sst s12  }
0x33: {  	s14 =	simm.s32 $0xFC00;
	[smem:$0x7EC] =	sst s13  }
0x34: {  	s15 =	simm.s32 $0x4000;
	[smem:$0x7ED] =	sst s14  }
0x35: {  	s16 =	simm.s32 $0x8000;
	[smem:$0x7EE] =	sst s15  }
0x36: {  	s17 =	simm.s32 $0x10000;
	[smem:$0x7EF] =	sst s16  }
0x37: {  	s18 =	simm.s32 $0x4400;
	[smem:$0x7F1] =	sst s17  }
0x38: {  	s7 =	simm.s32 $0xC000;
	[smem:$0x7F2] =	sst s18  }
0x39: {  	s19 =	simm.s32 $0x8400;
	[smem:$0x7F0] =	sst s7  }
0x3a: {  	v0 =	vlaneseq.u32;
	s20 =	simm.s32 $0xC400;
	[smem:$0x7F3] =	sst s19  }
0x3b: {  	v0 =	vmul.u32 $0x400, v0;
	s21 =	simm.s32 $0x10400;
	[smem:$0x7F4] =	sst s20  }
0x3c: {  	s3 =	stileid.u32;
	s22 =	simm.s32 $0x4800;
	[smem:$0x7F5] =	sst s21  }
0x3d: {  	s6 =	srdreg.scid;
	v1 =	vor.u32 $0x80, v0;
	s23 =	simm.s32 $0x8800;
	[smem:$0x7F6] =	sst s22  }
0x3e: {  	s8 =	sshll.u32 s3, $0xA;
	v2 =	vor.u32 $0x100, v0;
	v3 =	vor.u32 $0x180, v0;
	v4 =	vor.u32 $0x200, v0;
	s25 =	simm.s32 $0xC800;
	[smem:$0x7F7] =	sst s23  }
0x3f: {  	v5 =	vor.u32 $0x280, v0;
	v6 =	vor.u32 $0x300, v0;
	v7 =	vor.u32 $0x380, v0;
	s26 =	simm.s32 $0x10800;
	s28 =	simm.s32 $0x4C00;
	[smem:$0x7F8] =	sst s25  }
0x40: {  	v8 =	vor.u32 $0x4000, v0;
	v9 =	vor.u32 $0x4080, v0;
	v10 =	vor.u32 $0x4100, v0;
	s29 =	simm.s32 $0x8C00;
	s30 =	simm.s32 $0xCC00;
	[smem:$0x7F9] =	sst s26  }
0x41: {  	v11 =	vor.u32 $0x4180, v0;
	v12 =	vor.u32 $0x4200, v0;
	v13 =	vor.u32 $0x4280, v0;
	s31 =	simm.s32 $0x10C00;
	s10 =	simm.s32 $0x20000;
	[smem:$0x7FA] =	sst s28  }
0x42: {  	v14 =	vor.u32 $0x4300, v0;
	v15 =	vor.u32 $0x4380, v0;
	v16 =	vor.u32 $0x8000, v0;
	s11 =	simm.s32 $0x11000;
	s12 =	simm.s32 $0x0;
	[smem:$0x7FB] =	sst s29  }
0x43: {  	v17 =	vor.u32 $0x8080, v0;
	v18 =	vor.u32 $0x8100, v0;
	v19 =	vor.u32 $0x8180, v0;
	s6 =	sand.u32 $0x1, s6;
	s7 =	simm.s32 $0x2;
	[smem:$0x7FC] =	sst s30  }
0x44: {  	v20 =	vor.u32 $0x8200, v0;
	v21 =	vor.u32 $0x8280, v0;
	v22 =	vor.u32 $0x8300, v0;
	[smem:$0x7FD] =	sst s31;
	s9 =	sshll.u32 s6, $0x9;
	s6 =	ssub.s32 $0x2, s6  }
0x45: {  	v23 =	vor.u32 $0x8380, v0;
	v24 =	vor.u32 $0xC000, v0;
	v25 =	vor.u32 $0xC080, v0;
	s8 =	sor.u32 s9, s8;
	s24 =	sshrl.u32 s6, $0x1;
	s9 =	simm.s32 $0x1  }
0x46: {  	v26 =	vor.u32 $0xC100, v0;
	v27 =	vor.u32 $0xC180, v0;
	v28 =	vor.u32 $0xC200, v0;
	s4 =	sadd.s32 s8, s4;
	s6 =	ssub.s32 s6, s24;
	s5 =	sadd.s32 s5, s8  }
0x47: {  	v29 =	vor.u32 $0xC280, v0;
	v30 =	vor.u32 $0xC300, v0;
	v31 =	vor.u32 $0xC380, v0;
	s8 =	simm.s32 $0x1000;
	s4 =	sadd.s32 $0x400, s4;
	s6 =	smax.u32 s6, $0x1  }
.LBB2_1:
0x48: {  	[tilespmem:s2], [sflag:$0x2] =	stream.linear.gather [hbm4b:s4+s2], $0x1000, $0x38;
	[tilespmem:$0x15000] =	vst v63  }
0x49: {  	_ =	swait.ge [sflag:s7], $0x1000  }
0x4a: {  	s13 =	simm.s32 $0x0;
	[sflag:s7] =	ssyncset.done $0x0  }
0x4b: {  	s14 =	simm.s32 $0x0;
	s15 =	simm.s32 $0x0;
	[sflag:s7] =	ssyncadd.s32 $0xFFFFF000  }
.LBB2_2:
0x4c: {  	v32 =	vld [tilespmem:s13+$0x0];
	_ =	sdelay $0x4  }
0x4d: {  	(v2sf) =	vpush v32, $0x0;
	_ =	sdelay $0x7  }
0x4e: {  	(v2sf) =	vpush v32, $0x1;
	_ =	sdelay $0x6  }
0x4f: {  	s16 =	spop (v2sf)  }
0x50: {  	s16 =	sand.u32 $0xFFFFF80, s16  }
0x51: {  	(v2sf) =	vpush v32, $0x2;
	s16 =	sadd.s32 s1, s16  }
0x52: {  	[tilespmem:s8], [sflag:$0x1] =	stream.linear.gather [hbm4b:s16+s2], $0x400, $0x38;
	[tilespmem:$0x15000] =	vst v63  }
0x53: {  	s17 =	rddreg [dreg:$0x4];
	s18 =	sadd.s32 $0xF4280, s16  }
0x54: {  	[tilespmem:s17], [sflag:$0x1] =	stream.linear.gather [hbm4b:s18+s2], $0x400, $0x38;
	[tilespmem:$0x15000] =	vst v63  }
0x55: {  	s19 =	rddreg [dreg:$0x5];
	s30 =	sadd.s32 $0x1E8500, s16  }
0x56: {  	[tilespmem:s19], [sflag:$0x1] =	stream.linear.gather [hbm4b:s30+s2], $0x400, $0x38;
	[tilespmem:$0x15000] =	vst v63  }
0x57: {  	s31 =	rddreg [dreg:$0x6];
	s16 =	sadd.s32 $0x2DC780, s16;
	s17 =	spop (v2sf)  }
0x58: {  	[tilespmem:s31], [sflag:$0x1] =	stream.linear.gather [hbm4b:s16+s2], $0x400, $0x38;
	[tilespmem:$0x15000] =	vst v63  }
0x59: {  	s16 =	sand.u32 $0xFFFFF80, s17  }
0x5a: {  	s18 =	rddreg [dreg:$0x7];
	(v2sf) =	vpush v32, $0x3;
	s16 =	sadd.s32 s1, s16  }
0x5b: {  	[tilespmem:s18], [sflag:$0x1] =	stream.linear.gather [hbm4b:s16+s2], $0x400, $0x38;
	[tilespmem:$0x15000] =	vst v63  }
0x5c: {  	s19 =	rddreg [dreg:$0x8];
	s20 =	sadd.s32 $0xF4280, s16  }
0x5d: {  	[tilespmem:s19], [sflag:$0x1] =	stream.linear.gather [hbm4b:s20+s2], $0x400, $0x38;
	[tilespmem:$0x15000] =	vst v63  }
0x5e: {  	s21 =	rddreg [dreg:$0x9];
	s22 =	sadd.s32 $0x1E8500, s16  }
0x5f: {  	[tilespmem:s21], [sflag:$0x1] =	stream.linear.gather [hbm4b:s22+s2], $0x400, $0x38;
	[tilespmem:$0x15000] =	vst v63  }
0x60: {  	s23 =	rddreg [dreg:$0xa];
	s16 =	sadd.s32 $0x2DC780, s16;
	s24 =	spop (v2sf)  }
0x61: {  	[tilespmem:s23], [sflag:$0x1] =	stream.linear.gather [hbm4b:s16+s2], $0x400, $0x38;
	[tilespmem:$0x15000] =	vst v63  }
0x62: {  	s16 =	sand.u32 $0xFFFFF80, s24  }
0x63: {  	s25 =	rddreg [dreg:$0xb];
	(v2sf) =	vpush v32, $0x4;
	s16 =	sadd.s32 s1, s16  }
0x64: {  	[tilespmem:s25], [sflag:$0x1] =	stream.linear.gather [hbm4b:s16+s2], $0x400, $0x38;
	[tilespmem:$0x15000] =	vst v63  }
0x65: {  	s26 =	rddreg [dreg:$0xc];
	s28 =	sadd.s32 $0xF4280, s16  }
0x66: {  	[tilespmem:s26], [sflag:$0x1] =	stream.linear.gather [hbm4b:s28+s2], $0x400, $0x38;
	[tilespmem:$0x15000] =	vst v63  }
0x67: {  	s29 =	rddreg [dreg:$0xd];
	s30 =	sadd.s32 $0x1E8500, s16  }
0x68: {  	[tilespmem:s29], [sflag:$0x1] =	stream.linear.gather [hbm4b:s30+s2], $0x400, $0x38;
	[tilespmem:$0x15000] =	vst v63  }
0x69: {  	s31 =	rddreg [dreg:$0xe];
	s16 =	sadd.s32 $0x2DC780, s16;
	s17 =	spop (v2sf)  }
0x6a: {  	[tilespmem:s31], [sflag:$0x1] =	stream.linear.gather [hbm4b:s16+s2], $0x400, $0x38;
	[tilespmem:$0x15000] =	vst v63  }
0x6b: {  	s16 =	sand.u32 $0xFFFFF80, s17  }
0x6c: {  	s18 =	rddreg [dreg:$0xf];
	(v2sf) =	vpush v32, $0x5;
	s16 =	sadd.s32 s1, s16  }
0x6d: {  	[tilespmem:s18], [sflag:$0x1] =	stream.linear.gather [hbm4b:s16+s2], $0x400, $0x38;
	[tilespmem:$0x15000] =	vst v63  }
0x6e: {  	s19 =	rddreg [dreg:$0x10];
	s20 =	sadd.s32 $0xF4280, s16  }
0x6f: {  	[tilespmem:s19], [sflag:$0x1] =	stream.linear.gather [hbm4b:s20+s2], $0x400, $0x38;
	[tilespmem:$0x15000] =	vst v63  }
0x70: {  	s21 =	rddreg [dreg:$0x11];
	s22 =	sadd.s32 $0x1E8500, s16  }
0x71: {  	[tilespmem:s21], [sflag:$0x1] =	stream.linear.gather [hbm4b:s22+s2], $0x400, $0x38;
	[tilespmem:$0x15000] =	vst v63  }
0x72: {  	s23 =	rddreg [dreg:$0x12];
	s16 =	sadd.s32 $0x2DC780, s16;
	s24 =	spop (v2sf)  }
0x73: {  	[tilespmem:s23], [sflag:$0x1] =	stream.linear.gather [hbm4b:s16+s2], $0x400, $0x38;
	[tilespmem:$0x15000] =	vst v63  }
0x74: {  	s16 =	sand.u32 $0xFFFFF80, s24  }
0x75: {  	s25 =	rddreg [dreg:$0x13];
	(v2sf) =	vpush v32, $0x6;
	s16 =	sadd.s32 s1, s16  }
0x76: {  	[tilespmem:s25], [sflag:$0x1] =	stream.linear.gather [hbm4b:s16+s2], $0x400, $0x38;
	[tilespmem:$0x15000] =	vst v63  }
0x77: {  	s26 =	rddreg [dreg:$0x14];
	s28 =	sadd.s32 $0xF4280, s16  }
0x78: {  	[tilespmem:s26], [sflag:$0x1] =	stream.linear.gather [hbm4b:s28+s2], $0x400, $0x38;
	[tilespmem:$0x15000] =	vst v63  }
0x79: {  	s29 =	rddreg [dreg:$0x15];
	s30 =	sadd.s32 $0x1E8500, s16  }
0x7a: {  	[tilespmem:s29], [sflag:$0x1] =	stream.linear.gather [hbm4b:s30+s2], $0x400, $0x38;
	[tilespmem:$0x15000] =	vst v63  }
0x7b: {  	s31 =	rddreg [dreg:$0x16];
	s16 =	sadd.s32 $0x2DC780, s16;
	s17 =	spop (v2sf)  }
0x7c: {  	[tilespmem:s31], [sflag:$0x1] =	stream.linear.gather [hbm4b:s16+s2], $0x400, $0x38;
	[tilespmem:$0x15000] =	vst v63  }
0x7d: {  	s16 =	sand.u32 $0xFFFFF80, s17  }
0x7e: {  	s18 =	rddreg [dreg:$0x17];
	(v2sf) =	vpush v32, $0x7;
	s16 =	sadd.s32 s1, s16  }
0x7f: {  	[tilespmem:s18], [sflag:$0x1] =	stream.linear.gather [hbm4b:s16+s2], $0x400, $0x38;
	[tilespmem:$0x15000] =	vst v63  }
0x80: {  	s19 =	rddreg [dreg:$0x18];
	s20 =	sadd.s32 $0xF4280, s16  }
0x81: {  	[tilespmem:s19], [sflag:$0x1] =	stream.linear.gather [hbm4b:s20+s2], $0x400, $0x38;
	[tilespmem:$0x15000] =	vst v63  }
0x82: {  	s21 =	rddreg [dreg:$0x19];
	s22 =	sadd.s32 $0x1E8500, s16  }
0x83: {  	[tilespmem:s21], [sflag:$0x1] =	stream.linear.gather [hbm4b:s22+s2], $0x400, $0x38;
	[tilespmem:$0x15000] =	vst v63  }
0x84: {  	s23 =	rddreg [dreg:$0x1a];
	s16 =	sadd.s32 $0x2DC780, s16;
	s24 =	spop (v2sf)  }
0x85: {  	[tilespmem:s23], [sflag:$0x1] =	stream.linear.gather [hbm4b:s16+s2], $0x400, $0x38;
	[tilespmem:$0x15000] =	vst v63  }
0x86: {  	s16 =	sand.u32 $0xFFFFF80, s24  }
0x87: {  	s25 =	rddreg [dreg:$0x1b];
	(v2sf) =	vpush v32, $0x8;
	s16 =	sadd.s32 s1, s16  }
0x88: {  	[tilespmem:s25], [sflag:$0x1] =	stream.linear.gather [hbm4b:s16+s2], $0x400, $0x38;
	[tilespmem:$0x15000] =	vst v63  }
0x89: {  	s26 =	rddreg [dreg:$0x1c];
	s28 =	sadd.s32 $0xF4280, s16  }
0x8a: {  	[tilespmem:s26], [sflag:$0x1] =	stream.linear.gather [hbm4b:s28+s2], $0x400, $0x38;
	[tilespmem:$0x15000] =	vst v63  }
0x8b: {  	s29 =	rddreg [dreg:$0x1d];
	s30 =	sadd.s32 $0x1E8500, s16  }
0x8c: {  	[tilespmem:s29], [sflag:$0x1] =	stream.linear.gather [hbm4b:s30+s2], $0x400, $0x38;
	[tilespmem:$0x15000] =	vst v63  }
0x8d: {  	s31 =	rddreg [dreg:$0x1e];
	s17 =	spop (v2sf);
	s16 =	sadd.s32 $0x2DC780, s16  }
0x8e: {  	[tilespmem:s31], [sflag:$0x1] =	stream.linear.gather [hbm4b:s16+s2], $0x400, $0x38;
	[tilespmem:$0x15000] =	vst v63  }
0x8f: {  	s18 =	rddreg [dreg:$0x1f];
	s16 =	sand.u32 $0xFFFFF80, s17  }
0x90: {  	s19 =	sld [smem:$0x7DB];
	(v2sf) =	vpush v32, $0x9;
	s16 =	sadd.s32 s1, s16  }
0x91: {  	[tilespmem:s18], [sflag:$0x1] =	stream.linear.gather [hbm4b:s16+s2], $0x400, $0x38;
	[tilespmem:$0x15000] =	vst v63  }
0x92: {  	s21 =	sld [smem:$0x7DC];
	s20 =	sadd.s32 $0xF4280, s16  }
0x93: {  	[tilespmem:s19], [sflag:$0x1] =	stream.linear.gather [hbm4b:s20+s2], $0x400, $0x38;
	[tilespmem:$0x15000] =	vst v63  }
0x94: {  	s23 =	sld [smem:$0x7DD];
	s22 =	sadd.s32 $0x1E8500, s16  }
0x95: {  	[tilespmem:s21], [sflag:$0x1] =	stream.linear.gather [hbm4b:s22+s2], $0x400, $0x38;
	[tilespmem:$0x15000] =	vst v63  }
0x96: {  	s25 =	sld [smem:$0x7DE];
	s16 =	sadd.s32 $0x2DC780, s16;
	s24 =	spop (v2sf)  }
0x97: {  	[tilespmem:s23], [sflag:$0x1] =	stream.linear.gather [hbm4b:s16+s2], $0x400, $0x38;
	[tilespmem:$0x15000] =	vst v63  }
0x98: {  	s16 =	sand.u32 $0xFFFFF80, s24  }
0x99: {  	s26 =	sld [smem:$0x7DF];
	(v2sf) =	vpush v32, $0xA;
	s16 =	sadd.s32 s1, s16  }
0x9a: {  	[tilespmem:s25], [sflag:$0x1] =	stream.linear.gather [hbm4b:s16+s2], $0x400, $0x38;
	[tilespmem:$0x15000] =	vst v63  }
0x9b: {  	s29 =	sld [smem:$0x7E0];
	s28 =	sadd.s32 $0xF4280, s16  }
0x9c: {  	[tilespmem:s26], [sflag:$0x1] =	stream.linear.gather [hbm4b:s28+s2], $0x400, $0x38;
	[tilespmem:$0x15000] =	vst v63  }
0x9d: {  	s31 =	sld [smem:$0x7E1];
	s30 =	sadd.s32 $0x1E8500, s16  }
0x9e: {  	[tilespmem:s29], [sflag:$0x1] =	stream.linear.gather [hbm4b:s30+s2], $0x400, $0x38;
	[tilespmem:$0x15000] =	vst v63  }
0x9f: {  	s18 =	sld [smem:$0x7E2];
	s17 =	spop (v2sf);
	s16 =	sadd.s32 $0x2DC780, s16  }
0xa0: {  	[tilespmem:s31], [sflag:$0x1] =	stream.linear.gather [hbm4b:s16+s2], $0x400, $0x38;
	[tilespmem:$0x15000] =	vst v63  }
0xa1: {  	s16 =	sand.u32 $0xFFFFF80, s17  }
0xa2: {  	s19 =	sld [smem:$0x7E3];
	(v2sf) =	vpush v32, $0xB;
	s16 =	sadd.s32 s1, s16  }
0xa3: {  	[tilespmem:s18], [sflag:$0x1] =	stream.linear.gather [hbm4b:s16+s2], $0x400, $0x38;
	[tilespmem:$0x15000] =	vst v63  }
0xa4: {  	s21 =	sld [smem:$0x7E4];
	s20 =	sadd.s32 $0xF4280, s16  }
0xa5: {  	[tilespmem:s19], [sflag:$0x1] =	stream.linear.gather [hbm4b:s20+s2], $0x400, $0x38;
	[tilespmem:$0x15000] =	vst v63  }
0xa6: {  	s23 =	sld [smem:$0x7E5];
	s22 =	sadd.s32 $0x1E8500, s16  }
0xa7: {  	[tilespmem:s21], [sflag:$0x1] =	stream.linear.gather [hbm4b:s22+s2], $0x400, $0x38;
	[tilespmem:$0x15000] =	vst v63  }
0xa8: {  	s25 =	sld [smem:$0x7E6];
	s16 =	sadd.s32 $0x2DC780, s16;
	s24 =	spop (v2sf)  }
0xa9: {  	[tilespmem:s23], [sflag:$0x1] =	stream.linear.gather [hbm4b:s16+s2], $0x400, $0x38;
	[tilespmem:$0x15000] =	vst v63  }
0xaa: {  	s16 =	sand.u32 $0xFFFFF80, s24  }
0xab: {  	s26 =	sld [smem:$0x7E7];
	(v2sf) =	vpush v32, $0xC;
	s16 =	sadd.s32 s1, s16  }
0xac: {  	[tilespmem:s25], [sflag:$0x1] =	stream.linear.gather [hbm4b:s16+s2], $0x400, $0x38;
	[tilespmem:$0x15000] =	vst v63  }
0xad: {  	s29 =	sld [smem:$0x7E8];
	s28 =	sadd.s32 $0xF4280, s16  }
0xae: {  	[tilespmem:s26], [sflag:$0x1] =	stream.linear.gather [hbm4b:s28+s2], $0x400, $0x38;
	[tilespmem:$0x15000] =	vst v63  }
0xaf: {  	s31 =	sld [smem:$0x7E9];
	s30 =	sadd.s32 $0x1E8500, s16  }
0xb0: {  	[tilespmem:s29], [sflag:$0x1] =	stream.linear.gather [hbm4b:s30+s2], $0x400, $0x38;
	[tilespmem:$0x15000] =	vst v63  }
0xb1: {  	s18 =	sld [smem:$0x7EA];
	s17 =	spop (v2sf);
	s16 =	sadd.s32 $0x2DC780, s16  }
0xb2: {  	[tilespmem:s31], [sflag:$0x1] =	stream.linear.gather [hbm4b:s16+s2], $0x400, $0x38;
	[tilespmem:$0x15000] =	vst v63  }
0xb3: {  	s16 =	sand.u32 $0xFFFFF80, s17  }
0xb4: {  	s19 =	sld [smem:$0x7EB];
	(v2sf) =	vpush v32, $0xD;
	s16 =	sadd.s32 s1, s16  }
0xb5: {  	[tilespmem:s18], [sflag:$0x1] =	stream.linear.gather [hbm4b:s16+s2], $0x400, $0x38;
	[tilespmem:$0x15000] =	vst v63  }
0xb6: {  	s21 =	sld [smem:$0x7EC];
	s20 =	sadd.s32 $0xF4280, s16  }
0xb7: {  	[tilespmem:s19], [sflag:$0x1] =	stream.linear.gather [hbm4b:s20+s2], $0x400, $0x38;
	[tilespmem:$0x15000] =	vst v63  }
0xb8: {  	s23 =	sld [smem:$0x7ED];
	s22 =	sadd.s32 $0x1E8500, s16  }
0xb9: {  	[tilespmem:s21], [sflag:$0x1] =	stream.linear.gather [hbm4b:s22+s2], $0x400, $0x38;
	[tilespmem:$0x15000] =	vst v63  }
0xba: {  	s25 =	sld [smem:$0x7EE];
	s24 =	spop (v2sf);
	s16 =	sadd.s32 $0x2DC780, s16  }
0xbb: {  	[tilespmem:s23], [sflag:$0x1] =	stream.linear.gather [hbm4b:s16+s2], $0x400, $0x38;
	[tilespmem:$0x15000] =	vst v63  }
0xbc: {  	s16 =	sand.u32 $0xFFFFF80, s24  }
0xbd: {  	s26 =	sld [smem:$0x7EF];
	(v2sf) =	vpush v32, $0xE;
	s16 =	sadd.s32 s1, s16  }
0xbe: {  	[tilespmem:s25], [sflag:$0x1] =	stream.linear.gather [hbm4b:s16+s2], $0x400, $0x38;
	[tilespmem:$0x15000] =	vst v63  }
0xbf: {  	s29 =	sld [smem:$0x7F0];
	s28 =	sadd.s32 $0xF4280, s16  }
0xc0: {  	[tilespmem:s26], [sflag:$0x1] =	stream.linear.gather [hbm4b:s28+s2], $0x400, $0x38;
	[tilespmem:$0x15000] =	vst v63  }
0xc1: {  	s31 =	sld [smem:$0x7F1];
	s30 =	sadd.s32 $0x1E8500, s16  }
0xc2: {  	[tilespmem:s29], [sflag:$0x1] =	stream.linear.gather [hbm4b:s30+s2], $0x400, $0x38;
	[tilespmem:$0x15000] =	vst v63  }
0xc3: {  	s20 =	sld [smem:$0x7F2];
	s19 =	spop (v2sf);
	s16 =	sadd.s32 $0x2DC780, s16  }
0xc4: {  	[tilespmem:s31], [sflag:$0x1] =	stream.linear.gather [hbm4b:s16+s2], $0x400, $0x38;
	[tilespmem:$0x15000] =	vst v63  }
0xc5: {  	s16 =	sand.u32 $0xFFFFF80, s19  }
0xc6: {  	s21 =	sld [smem:$0x7F3];
	(v2sf) =	vpush v32, $0xF;
	s16 =	sadd.s32 s1, s16  }
0xc7: {  	[tilespmem:s20], [sflag:$0x1] =	stream.linear.gather [hbm4b:s16+s2], $0x400, $0x38;
	[tilespmem:$0x15000] =	vst v63  }
0xc8: {  	s23 =	sld [smem:$0x7F4];
	s22 =	sadd.s32 $0xF4280, s16  }
0xc9: {  	[tilespmem:s21], [sflag:$0x1] =	stream.linear.gather [hbm4b:s22+s2], $0x400, $0x38;
	[tilespmem:$0x15000] =	vst v63  }
0xca: {  	s25 =	sld [smem:$0x7F5];
	s24 =	sadd.s32 $0x1E8500, s16  }
0xcb: {  	[tilespmem:s23], [sflag:$0x1] =	stream.linear.gather [hbm4b:s24+s2], $0x400, $0x38;
	[tilespmem:$0x15000] =	vst v63  }
0xcc: {  	s28 =	sld [smem:$0x7F6];
	s26 =	spop (v2sf);
	s16 =	sadd.s32 $0x2DC780, s16  }
0xcd: {  	[tilespmem:s25], [sflag:$0x1] =	stream.linear.gather [hbm4b:s16+s2], $0x400, $0x38;
	[tilespmem:$0x15000] =	vst v63  }
0xce: {  	s16 =	sand.u32 $0xFFFFF80, s26  }
0xcf: {  	s29 =	sld [smem:$0x7F7];
	s16 =	sadd.s32 s1, s16  }
0xd0: {  	[tilespmem:s28], [sflag:$0x1] =	stream.linear.gather [hbm4b:s16+s2], $0x400, $0x38;
	[tilespmem:$0x15000] =	vst v63  }
0xd1: {  	s31 =	sld [smem:$0x7F8];
	s30 =	sadd.s32 $0xF4280, s16  }
0xd2: {  	[tilespmem:s29], [sflag:$0x1] =	stream.linear.gather [hbm4b:s30+s2], $0x400, $0x38;
	[tilespmem:$0x15000] =	vst v63  }
0xd3: {  	s20 =	sld [smem:$0x7F9];
	s18 =	sadd.s32 $0x1E8500, s16  }
0xd4: {  	[tilespmem:s31], [sflag:$0x1] =	stream.linear.gather [hbm4b:s18+s2], $0x400, $0x38;
	[tilespmem:$0x15000] =	vst v63  }
0xd5: {  	s22 =	sld [smem:$0x7FA];
	s21 =	spop (v2sf);
	s16 =	sadd.s32 $0x2DC780, s16  }
0xd6: {  	[tilespmem:s20], [sflag:$0x1] =	stream.linear.gather [hbm4b:s16+s2], $0x400, $0x38;
	[tilespmem:$0x15000] =	vst v63  }
0xd7: {  	s16 =	sand.u32 $0xFFFFF80, s21  }
0xd8: {  	s23 =	sld [smem:$0x7FB];
	s16 =	sadd.s32 s1, s16  }
0xd9: {  	[tilespmem:s22], [sflag:$0x1] =	stream.linear.gather [hbm4b:s16+s2], $0x400, $0x38;
	[tilespmem:$0x15000] =	vst v63  }
0xda: {  	s25 =	sld [smem:$0x7FC];
	s24 =	sadd.s32 $0xF4280, s16  }
0xdb: {  	[tilespmem:s23], [sflag:$0x1] =	stream.linear.gather [hbm4b:s24+s2], $0x400, $0x38;
	[tilespmem:$0x15000] =	vst v63  }
0xdc: {  	s28 =	sld [smem:$0x7FD];
	s26 =	sadd.s32 $0x1E8500, s16  }
0xdd: {  	[tilespmem:s25], [sflag:$0x1] =	stream.linear.gather [hbm4b:s26+s2], $0x400, $0x38;
	[tilespmem:$0x15000] =	vst v63  }
0xde: {  	s16 =	sadd.s32 $0x2DC780, s16  }
0xdf: {  	[tilespmem:s28], [sflag:$0x1] =	stream.linear.gather [hbm4b:s16+s2], $0x400, $0x38;
	[tilespmem:$0x15000] =	vst v63  }
0xe0: {  	_ =	swait.ge [sflag:s9], $0x1000  }
0xe1: {  	[sflag:s9] =	ssyncset.done $0x0  }
0xe2: {  	[sflag:s9] =	ssyncadd.s32 $0xFFFFF000  }
0xe3: {  	_ =	swait.ge [sflag:s9], $0x1000  }
0xe4: {  	[sflag:s9] =	ssyncset.done $0x0  }
0xe5: {  	[sflag:s9] =	ssyncadd.s32 $0xFFFFF000  }
0xe6: {  	_ =	swait.ge [sflag:s9], $0x1000  }
0xe7: {  	[sflag:s9] =	ssyncset.done $0x0  }
0xe8: {  	[sflag:s9] =	ssyncadd.s32 $0xFFFFF000  }
0xe9: {  	_ =	swait.ge [sflag:s9], $0x1000  }
0xea: {  	[sflag:s9] =	ssyncset.done $0x0  }
0xeb: {  	[sflag:s9] =	ssyncadd.s32 $0xFFFFF000  }
0xec: {  	_ =	swait.ge [sflag:s9], $0x1000  }
0xed: {  	[sflag:s9] =	ssyncset.done $0x0  }
0xee: {  	[sflag:s9] =	ssyncadd.s32 $0xFFFFF000  }
0xef: {  	_ =	swait.ge [sflag:s9], $0x1000  }
0xf0: {  	[sflag:s9] =	ssyncset.done $0x0  }
0xf1: {  	[sflag:s9] =	ssyncadd.s32 $0xFFFFF000  }
0xf2: {  	_ =	swait.ge [sflag:s9], $0x1000  }
0xf3: {  	[sflag:s9] =	ssyncset.done $0x0  }
0xf4: {  	[sflag:s9] =	ssyncadd.s32 $0xFFFFF000  }
0xf5: {  	_ =	swait.ge [sflag:s9], $0x1000  }
0xf6: {  	[sflag:s9] =	ssyncset.done $0x0  }
0xf7: {  	[sflag:s9] =	ssyncadd.s32 $0xFFFFF000  }
0xf8: {  	_ =	swait.ge [sflag:s9], $0x1000  }
0xf9: {  	[sflag:s9] =	ssyncset.done $0x0  }
0xfa: {  	[sflag:s9] =	ssyncadd.s32 $0xFFFFF000  }
0xfb: {  	_ =	swait.ge [sflag:s9], $0x1000  }
0xfc: {  	[sflag:s9] =	ssyncset.done $0x0  }
0xfd: {  	[sflag:s9] =	ssyncadd.s32 $0xFFFFF000  }
0xfe: {  	_ =	swait.ge [sflag:s9], $0x1000  }
0xff: {  	[sflag:s9] =	ssyncset.done $0x0  }
0x100: {  	[sflag:s9] =	ssyncadd.s32 $0xFFFFF000  }
0x101: {  	_ =	swait.ge [sflag:s9], $0x1000  }
0x102: {  	[sflag:s9] =	ssyncset.done $0x0  }
0x103: {  	[sflag:s9] =	ssyncadd.s32 $0xFFFFF000  }
0x104: {  	_ =	swait.ge [sflag:s9], $0x1000  }
0x105: {  	[sflag:s9] =	ssyncset.done $0x0  }
0x106: {  	[sflag:s9] =	ssyncadd.s32 $0xFFFFF000  }
0x107: {  	_ =	swait.ge [sflag:s9], $0x1000  }
0x108: {  	[sflag:s9] =	ssyncset.done $0x0  }
0x109: {  	[sflag:s9] =	ssyncadd.s32 $0xFFFFF000  }
0x10a: {  	v32 =	vand.u32 $0x7F, v32;
	_ =	swait.ge [sflag:s9], $0x1000  }
0x10b: {  	v33 =	vor.u32 v0, v32;
	[sflag:s9] =	ssyncset.done $0x0  }
0x10c: {  	[sflag:s9] =	ssyncadd.s32 $0xFFFFF000  }
0x10d: {  	_ =	swait.ge [sflag:s9], $0x1000  }
0x10e: {  	[sflag:s9] =	ssyncset.done $0x0  }
0x10f: {  	[sflag:s9] =	ssyncadd.s32 $0xFFFFF000  }
0x110: {  	v33 =	vld.idx.msk [tilespmem:v33+s8+$0x0], $0xffff  }
0x111: {  	v34 =	vor.u32 v1, v32;
	_ =	sdelay $0x1  }
0x112: {  	s29 =	sand.u32 $0x70, s15;
	s30 =	sand.u32 $0xC00, s14  }
0x113: {  	s16 =	sor.u32 s29, s30  }
0x114: {  	[tilespmem:s16+$0x11000] =	vst v33  }
0x115: {  	v33 =	vld.idx.msk [tilespmem:v34+s8+$0x0], $0xffff  }
0x116: {  	v63 =	vor.u32 v2, v32;
	_ =	sdelay $0x3  }
0x117: {  	[tilespmem:s16+$0x11080] =	vst v33  }
0x118: {  	v33 =	vld.idx.msk [tilespmem:v63+s8+$0x0], $0xffff  }
0x119: {  	v36 =	vor.u32 v3, v32;
	_ =	sdelay $0x3  }
0x11a: {  	[tilespmem:s16+$0x11100] =	vst v33  }
0x11b: {  	v33 =	vld.idx.msk [tilespmem:v36+s8+$0x0], $0xffff  }
0x11c: {  	v37 =	vor.u32 v4, v32;
	_ =	sdelay $0x3  }
0x11d: {  	[tilespmem:s16+$0x11180] =	vst v33  }
0x11e: {  	v33 =	vld.idx.msk [tilespmem:v37+s8+$0x0], $0xffff  }
0x11f: {  	v38 =	vor.u32 v5, v32;
	_ =	sdelay $0x3  }
0x120: {  	[tilespmem:s16+$0x11200] =	vst v33  }
0x121: {  	v33 =	vld.idx.msk [tilespmem:v38+s8+$0x0], $0xffff  }
0x122: {  	v39 =	vor.u32 v6, v32;
	_ =	sdelay $0x3  }
0x123: {  	[tilespmem:s16+$0x11280] =	vst v33  }
0x124: {  	v33 =	vld.idx.msk [tilespmem:v39+s8+$0x0], $0xffff  }
0x125: {  	v40 =	vor.u32 v7, v32;
	_ =	sdelay $0x3  }
0x126: {  	[tilespmem:s16+$0x11300] =	vst v33  }
0x127: {  	v33 =	vld.idx.msk [tilespmem:v40+s8+$0x0], $0xffff  }
0x128: {  	v41 =	vor.u32 v8, v32;
	_ =	sdelay $0x1  }
0x129: {  	s31 =	sor.u32 s14, s15  }
0x12a: {  	s17 =	sor.u32 $0x380, s31  }
0x12b: {  	[tilespmem:s17+$0x11000] =	vst v33  }
0x12c: {  	v33 =	vld.idx.msk [tilespmem:v41+s8+$0x0], $0xffff  }
0x12d: {  	v42 =	vor.u32 v9, v32;
	_ =	sdelay $0x3  }
0x12e: {  	[tilespmem:s16+$0x12000] =	vst v33  }
0x12f: {  	v33 =	vld.idx.msk [tilespmem:v42+s8+$0x0], $0xffff  }
0x130: {  	v43 =	vor.u32 v10, v32;
	_ =	sdelay $0x3  }
0x131: {  	[tilespmem:s16+$0x12080] =	vst v33  }
0x132: {  	v33 =	vld.idx.msk [tilespmem:v43+s8+$0x0], $0xffff  }
0x133: {  	v44 =	vor.u32 v11, v32;
	_ =	sdelay $0x3  }
0x134: {  	[tilespmem:s16+$0x12100] =	vst v33  }
0x135: {  	v33 =	vld.idx.msk [tilespmem:v44+s8+$0x0], $0xffff  }
0x136: {  	v45 =	vor.u32 v12, v32;
	_ =	sdelay $0x3  }
0x137: {  	[tilespmem:s16+$0x12180] =	vst v33  }
0x138: {  	v33 =	vld.idx.msk [tilespmem:v45+s8+$0x0], $0xffff  }
0x139: {  	v46 =	vor.u32 v13, v32;
	_ =	sdelay $0x3  }
0x13a: {  	[tilespmem:s16+$0x12200] =	vst v33  }
0x13b: {  	v33 =	vld.idx.msk [tilespmem:v46+s8+$0x0], $0xffff  }
0x13c: {  	v47 =	vor.u32 v14, v32;
	_ =	sdelay $0x3  }
0x13d: {  	[tilespmem:s16+$0x12280] =	vst v33  }
0x13e: {  	v33 =	vld.idx.msk [tilespmem:v47+s8+$0x0], $0xffff  }
0x13f: {  	v48 =	vor.u32 v15, v32;
	_ =	sdelay $0x3  }
0x140: {  	[tilespmem:s16+$0x12300] =	vst v33  }
0x141: {  	v33 =	vld.idx.msk [tilespmem:v48+s8+$0x0], $0xffff  }
0x142: {  	v49 =	vor.u32 v16, v32;
	_ =	sdelay $0x3  }
0x143: {  	[tilespmem:s16+$0x12380] =	vst v33  }
0x144: {  	v33 =	vld.idx.msk [tilespmem:v49+s8+$0x0], $0xffff  }
0x145: {  	v50 =	vor.u32 v17, v32;
	_ =	sdelay $0x3  }
0x146: {  	[tilespmem:s16+$0x13000] =	vst v33  }
0x147: {  	v33 =	vld.idx.msk [tilespmem:v50+s8+$0x0], $0xffff  }
0x148: {  	v51 =	vor.u32 v18, v32;
	_ =	sdelay $0x3  }
0x149: {  	[tilespmem:s16+$0x13080] =	vst v33  }
0x14a: {  	v33 =	vld.idx.msk [tilespmem:v51+s8+$0x0], $0xffff  }
0x14b: {  	v52 =	vor.u32 v19, v32;
	_ =	sdelay $0x3  }
0x14c: {  	[tilespmem:s16+$0x13100] =	vst v33  }
0x14d: {  	v33 =	vld.idx.msk [tilespmem:v52+s8+$0x0], $0xffff  }
0x14e: {  	v53 =	vor.u32 v20, v32;
	_ =	sdelay $0x3  }
0x14f: {  	[tilespmem:s16+$0x13180] =	vst v33  }
0x150: {  	v33 =	vld.idx.msk [tilespmem:v53+s8+$0x0], $0xffff  }
0x151: {  	v54 =	vor.u32 v21, v32;
	_ =	sdelay $0x3  }
0x152: {  	[tilespmem:s16+$0x13200] =	vst v33  }
0x153: {  	v33 =	vld.idx.msk [tilespmem:v54+s8+$0x0], $0xffff  }
0x154: {  	v55 =	vor.u32 v22, v32;
	_ =	sdelay $0x3  }
0x155: {  	[tilespmem:s16+$0x13280] =	vst v33  }
0x156: {  	v33 =	vld.idx.msk [tilespmem:v55+s8+$0x0], $0xffff  }
0x157: {  	v56 =	vor.u32 v23, v32;
	_ =	sdelay $0x3  }
0x158: {  	[tilespmem:s16+$0x13300] =	vst v33  }
0x159: {  	v33 =	vld.idx.msk [tilespmem:v56+s8+$0x0], $0xffff  }
0x15a: {  	v57 =	vor.u32 v24, v32;
	_ =	sdelay $0x3  }
0x15b: {  	[tilespmem:s16+$0x13380] =	vst v33  }
0x15c: {  	v33 =	vld.idx.msk [tilespmem:v57+s8+$0x0], $0xffff  }
0x15d: {  	v58 =	vor.u32 v25, v32;
	_ =	sdelay $0x3  }
0x15e: {  	[tilespmem:s16+$0x14000] =	vst v33  }
0x15f: {  	v33 =	vld.idx.msk [tilespmem:v58+s8+$0x0], $0xffff  }
0x160: {  	v59 =	vor.u32 v26, v32;
	_ =	sdelay $0x3  }
0x161: {  	[tilespmem:s16+$0x14080] =	vst v33  }
0x162: {  	v33 =	vld.idx.msk [tilespmem:v59+s8+$0x0], $0xffff  }
0x163: {  	v60 =	vor.u32 v27, v32;
	_ =	sdelay $0x3  }
0x164: {  	[tilespmem:s16+$0x14100] =	vst v33  }
0x165: {  	v33 =	vld.idx.msk [tilespmem:v60+s8+$0x0], $0xffff  }
0x166: {  	v61 =	vor.u32 v28, v32;
	_ =	sdelay $0x3  }
0x167: {  	[tilespmem:s16+$0x14180] =	vst v33  }
0x168: {  	v33 =	vld.idx.msk [tilespmem:v61+s8+$0x0], $0xffff  }
0x169: {  	v62 =	vor.u32 v29, v32;
	_ =	sdelay $0x3  }
0x16a: {  	[tilespmem:s16+$0x14200] =	vst v33  }
0x16b: {  	v33 =	vld.idx.msk [tilespmem:v62+s8+$0x0], $0xffff  }
0x16c: {  	v63 =	vor.u32 v30, v32;
	_ =	sdelay $0x3  }
0x16d: {  	[tilespmem:s16+$0x14280] =	vst v33  }
0x16e: {  	v33 =	vld.idx.msk [tilespmem:v63+s8+$0x0], $0xffff  }
0x16f: {  	v32 =	vor.u32 v31, v32;
	_ =	sdelay $0x3  }
0x170: {  	[tilespmem:s16+$0x14300] =	vst v33  }
0x171: {  	p0 =	sne.s32 s15, $0x1F0;
	v32 =	vld.idx.msk [tilespmem:v32+s8+$0x0], $0xffff  }
.Ltmp0:
0x172: {  	_ = 	snop;
	(pc) =	sbr.rel @p0 .LBB2_2-.Ltmp0, $2  }
0x173: {  	_ =	sdelay $0x2  }
0x174: {  	s13 =	sadd.s32 $0x80, s13;
	s14 =	sadd.s32 $0x80, s14;
	s15 =	sadd.s32 $0x10, s15;
	[tilespmem:s16+$0x14380] =	vst v32  }
0x175: {  	s12 =	sadd.s32 $0x1, s12  }
0x176: {  	p0 =	sne.s32 s12, s6  }
.Ltmp1:
0x177: {  	_ = 	snop;
	(pc) =	sbr.rel @p0 .LBB2_1-.Ltmp1, $4  }
0x178: {  	[hbm4b:s5+s8] =	stream.strided.scatter [tilespmem:s11], [sflag:$0x2], $0x4000, s10, s8, $0x38;
	[tilespmem:$0x15000] =	vst v63  }
0x179: {  	_ =	swait.ge [sflag:s7], $0x4000  }
0x17a: {  	[sflag:s7] =	ssyncset.done $0x0  }
0x17b: {  	[sflag:s7] =	ssyncadd.s32 $0xFFFFC000  }
0x17c: {  	_ =	sfence.sel $0x180000  }
0x17d: {  	[bflag:$0x0] =	sbarrier.arrive $0xFFFF  }
0x17e: {  	p0 =	sne.s32 s3, $0x0;
	_ =	strace $0x90000047  }
0x17f: {  	s0 =	sadd.s32 @!p0 $0x100000, s0;
	[bflag:$0x2] =	sbarrier.arrive $0xFFFF  }
0x180: {  	[sflag:s0] =	ssyncadd.tile.s32 @!p0 $0x1;
	_ =	shalt  }
.Lfunc_end2:
_tile_overlayer_lowered:
.L_overlay_start_2:
0x181: {  	(tag) =	ssettag $0x2  }
0x182: {  	s0 =	rddreg [dreg:$0x0];
	s2 =	stileid.u32  }
0x183: {  	s1 =	rddreg [dreg:$0x1];
	p0 =	sne.s32 s2, $0x0  }
0x184: {  	s3 =	rddreg [dreg:$0x2];
	[bflag:$0x3] =	sbarrier.arrive $0xFFFF;
	s2 =	simm.s32 @!p0 $0x1C02  }
0x185: {  	[timem:s3], [sflag:s2] =	dma.local @!p0 [hbm:s0], s1  }
0x186: {  	s0 =	simm.s32 @!p0 $0x2  }
0x187: {  	_ =	swait.ge @!p0 [sflag:s0], s1  }
0x188: {  	s1 =	ssub.s32 @!p0 $0x0, s1;
	[sflag:s0] =	ssyncset.done @!p0 $0x0  }
0x189: {  	[sflag:s0] =	ssyncadd.s32 @!p0 s1  }
0x18a: {  	[bflag:$0x3] =	sbarrier.arrive $0xFFFF  }
0x18b: {  	_ =	shalt  }

</sc_bundles>
